<compile_context>
chip_gen: v7x
topology: tpu7x:2x2x1
jax: 0.10.2.dev20260603
libtpu: 0.0.44.dev20260713+nightly
codegen_flags: <defaults>
</compile_context>

<pallas_src>
import functools

import jax
import jax.numpy as jnp
from jax import lax
from jax.experimental import pallas as pl
from jax.experimental.pallas import tpu as pltpu
from jax.experimental.pallas import tpu_sc as plsc

_B = 16384
_D = 64
_NC = 2
_NS = 16
_NW = _NC * _NS
_BPW = _B // _NW
_C = 1
_NSET = 8
_NGRP = _BPW // 16
_L = 16


@functools.cache
def _gather_kernel():
    mesh = plsc.VectorSubcoreMesh(
        core_axis_name="c", subcore_axis_name="s",
        num_cores=_NC, num_subcores=_NS,
    )

    block_types = [
        pltpu.VMEM((_D, 128), jnp.float32) for _ in range(_NSET * _C)
    ]

    @functools.partial(
        pl.kernel,
        out_type=jax.ShapeDtypeStruct((_D, _B), jnp.float32),
        mesh=mesh,
        scratch_types=[
            pltpu.VMEM((_BPW,), jnp.int32),
            *block_types,
            pltpu.VMEM((_D, _BPW), jnp.float32),
            pltpu.SemaphoreType.DMA,
            *[pltpu.SemaphoreType.DMA for _ in range(_NSET)],
        ],
        compiler_params=pltpu.CompilerParams(needs_layout_passes=False),
    )
    def body(idx_hbm, tableT_hbm, outT_hbm, lab_v, *rest):
        bufs = [
            rest[s * _C:(s + 1) * _C] for s in range(_NSET)
        ]
        outT_v = rest[_NSET * _C]
        sem_in = rest[_NSET * _C + 1]
        sems = rest[_NSET * _C + 2:]
        wid = lax.axis_index("s") * _NC + lax.axis_index("c")
        base = wid * _BPW
        pltpu.async_copy(idx_hbm.at[pl.ds(base, _BPW)], lab_v, sem_in).wait()

        lane = lax.iota(jnp.int32, _L)
        zeros = jnp.zeros((_L,), jnp.int32)
        nchunk = _L // _C

        def fire(lab16, lbase, s):
            for e in range(_C):
                blk0 = pl.multiple_of(
                    lax.bitwise_and(lab16[lbase + e], -128), 128
                )
                pltpu.async_copy(
                    tableT_hbm.at[:, pl.ds(blk0, 128)], bufs[s][e], sems[s]
                )

        def drain(s):
            for e in range(_C):
                pltpu.make_async_copy(
                    tableT_hbm.at[:, pl.ds(0, 128)], bufs[s][e], sems[s]
                ).wait()

        def extract(lab16, lbase, off, s):
            for e in range(_C):
                l_vec = zeros + lax.bitwise_and(lab16[lbase + e], 127)
                p_vec = zeros + (off + e)
                for c in range(_D // _L):
                    val = plsc.load_gather(bufs[s][e], [c * _L + lane, l_vec])
                    plsc.store_scatter(outT_v, [c * _L + lane, p_vec], val)

        lab0 = lab_v[pl.ds(0, _L)]
        for j in range(_NSET - 1):
            fire(lab0, j * _C, j)

        def do_group(g, _):
            lab16 = lab_v[pl.ds(g * _L, _L)]
            off = g * _L
            for j in range(nchunk):
                s = j % _NSET
                fj = j + _NSET - 1
                if fj < nchunk:
                    fire(lab16, fj * _C, (fj % _NSET))
                else:
                    fj -= nchunk

                    @pl.when(g < _NGRP - 1)
                    def _(fj=fj):
                        lab_n = lab_v[pl.ds((g + 1) * _L, _L)]
                        fire(lab_n, fj * _C, fj % _NSET)

                drain(s)
                extract(lab16, j * _C, off + j * _C, s)
            return ()

        lax.fori_loop(0, _NGRP, do_group, ())
        pltpu.sync_copy(outT_v, outT_hbm.at[:, pl.ds(base, _BPW)])

    return body


def kernel(class_label, table, uncond_table):
    del uncond_table
    idx = class_label.astype(jnp.int32)
    outT = _gather_kernel()(idx, table.T)
    return outT.T.reshape(_B, 1, _D)

# --- scband reference (transcript-rebuilt; emitter-appended) ---
"""Pipeline reference for scband-class-embedder2-3693671874976 (READ-ONLY COPY).

The authoritative reference and input builder live on the scoring server;
editing this copy changes nothing except your own understanding.
"""

import jax, jax.numpy as jnp
import numpy as np

B = 16384
N_CLASSES = 1000000
EMBED_DIM = 64


def setup_inputs(seed: int = 0) -> dict:
    key = jax.random.key(seed)
    k1, k2, k3 = jax.random.split(key, 3)
    class_label = jax.random.randint(k1, (B,), 0, N_CLASSES, dtype=jnp.int64 if jax.config.jax_enable_x64 else jnp.int32)
    table = jax.random.normal(k2, (N_CLASSES, EMBED_DIM), dtype=jnp.float32)
    uncond_table = jax.random.normal(k3, (1, EMBED_DIM), dtype=jnp.float32)
    return {"class_label": class_label, "table": table, "uncond_table": uncond_table}


def reference(class_label, table, uncond_table):
    # Deterministic (eval / no-drop) path of ClassEmbedder2.forward:
    #   c = batch[key][:, None]; c = self.embedding(c)
    # (the p_uncond random-drop branch is training-time stochasticity and
    #  uncond_embedding is frozen / requires_grad=False)
    c = class_label[:, None]                       # [B, 1]
    out = jnp.take(table, c, axis=0)               # [B, 1, EMBED_DIM]
    return out

if __name__ == "__main__":
    import jax
    _d = setup_inputs()
    print(jax.jit(kernel)(*tuple(_d.values())))

</pallas_src>

<mosaic_0001>
#map = affine_map<(d0, d1) -> (0)>
#map1 = affine_map<(d0, d1) -> (0, 0)>
module attributes {stable_mosaic.version = 14 : i64} {
  func.func @body(%arg0: i32, %arg1: i32, %arg2: memref<16384xi32, #tpu.memory_space<hbm>>, %arg3: memref<64x1000000xf32, #tpu.memory_space<hbm>>, %arg4: memref<64x16384xf32, #tpu.memory_space<hbm>>, %arg5: memref<512xi32, #tpu.memory_space<vmem>>, %arg6: memref<64x128xf32, #tpu.memory_space<vmem>>, %arg7: memref<64x128xf32, #tpu.memory_space<vmem>>, %arg8: memref<64x128xf32, #tpu.memory_space<vmem>>, %arg9: memref<64x128xf32, #tpu.memory_space<vmem>>, %arg10: memref<64x128xf32, #tpu.memory_space<vmem>>, %arg11: memref<64x128xf32, #tpu.memory_space<vmem>>, %arg12: memref<64x128xf32, #tpu.memory_space<vmem>>, %arg13: memref<64x128xf32, #tpu.memory_space<vmem>>, %arg14: memref<64x512xf32, #tpu.memory_space<vmem>>, %arg15: memref<!tpu.dma_semaphore, #tpu.memory_space<semaphore_mem>>, %arg16: memref<!tpu.dma_semaphore, #tpu.memory_space<semaphore_mem>>, %arg17: memref<!tpu.dma_semaphore, #tpu.memory_space<semaphore_mem>>, %arg18: memref<!tpu.dma_semaphore, #tpu.memory_space<semaphore_mem>>, %arg19: memref<!tpu.dma_semaphore, #tpu.memory_space<semaphore_mem>>, %arg20: memref<!tpu.dma_semaphore, #tpu.memory_space<semaphore_mem>>, %arg21: memref<!tpu.dma_semaphore, #tpu.memory_space<semaphore_mem>>, %arg22: memref<!tpu.dma_semaphore, #tpu.memory_space<semaphore_mem>>, %arg23: memref<!tpu.dma_semaphore, #tpu.memory_space<semaphore_mem>>) attributes {dimension_semantics = [#tpu.dimension_semantics<core_parallel>, #tpu.dimension_semantics<subcore_parallel>], iteration_bounds = array<i64: 2, 16>, scalar_prefetch = 0 : i64, scratch_operands = 19 : i64, tpu.core_type = #tpu.core_type<sc_vector_subcore>, window_params = [{transform_indices = #map}, {transform_indices = #map1}, {transform_indices = #map1}]} {
    %mul3A = arith.constant 2 : i32
    %mul3A_0 = arith.muli %arg1, %mul3A : i32
    %add3A = arith.addi %mul3A_0, %arg0 : i32
    %mul3A_1 = arith.constant 512 : i32
    %mul3A_2 = arith.muli %add3A, %mul3A_1 : i32
    %dma_start3A = tpu.memref_slice %arg2[%mul3A_2] : memref<16384xi32, #tpu.memory_space<hbm>> -> memref<512xi32, #tpu.memory_space<hbm>>
    %dma_start3A_3 = tpu.memref_slice %arg2[%mul3A_2] : memref<16384xi32, #tpu.memory_space<hbm>> -> memref<512xi32, #tpu.memory_space<hbm>>
    tpu.enqueue_dma source(%dma_start3A_3 : memref<512xi32, #tpu.memory_space<hbm>>) target(%arg5 : memref<512xi32, #tpu.memory_space<vmem>>) target_semaphore(%arg15 : memref<!tpu.dma_semaphore, #tpu.memory_space<semaphore_mem>>)
    %dma_wait3A = tpu.memref_slice %arg2[%mul3A_2] : memref<16384xi32, #tpu.memory_space<hbm>> -> memref<512xi32, #tpu.memory_space<hbm>>
    %dma_wait3A_4 = tpu.memref_slice %arg2[%mul3A_2] : memref<16384xi32, #tpu.memory_space<hbm>> -> memref<512xi32, #tpu.memory_space<hbm>>
    tpu.wait_dma2 semaphore(%arg15 : memref<!tpu.dma_semaphore, #tpu.memory_space<semaphore_mem>>) src(%dma_wait3A_4 : memref<512xi32, #tpu.memory_space<hbm>>) dst(%arg5 : memref<512xi32, #tpu.memory_space<vmem>>)
    %iota3A = tpu.iota {dimensions = array<i32: 0>} : vector<16xi32>
    %broadcast_in_dim3A = arith.constant 0 : i32
    %broadcast_in_dim3A_5 = vector.broadcast %broadcast_in_dim3A : i32 to vector<16xi32>
    %get3A = arith.constant 0 : index
    %get3A_6 = tpu.vector_load %arg5[%get3A] {strides = array<i32>} : memref<512xi32, #tpu.memory_space<vmem>>, vector<16xi32>,
    %slice3A = vector.extract_strided_slice %get3A_6 {offsets = [0], sizes = [1], strides = [1]} : vector<16xi32> to vector<1xi32>
    %squeeze3A = vector.extract %slice3A[0] : i32 from vector<1xi32>
    %and3A = arith.constant -128 : i32
    %and3A_7 = arith.andi %squeeze3A, %and3A : i32
    %multiple_of3A = tpu.assume_multiple %and3A_7, 128 : i32
    %dma_start3A_8 = arith.constant 0 : i32
    %dma_start3A_9 = tpu.memref_slice %arg3[%dma_start3A_8, %multiple_of3A] : memref<64x1000000xf32, #tpu.memory_space<hbm>> -> memref<64x128xf32, #tpu.memory_space<hbm>>
    %dma_start3A_10 = arith.constant 0 : i32
    %dma_start3A_11 = tpu.memref_slice %arg3[%dma_start3A_10, %multiple_of3A] : memref<64x1000000xf32, #tpu.memory_space<hbm>> -> memref<64x128xf32, #tpu.memory_space<hbm>>
    tpu.enqueue_dma source(%dma_start3A_11 : memref<64x128xf32, #tpu.memory_space<hbm>>) target(%arg6 : memref<64x128xf32, #tpu.memory_space<vmem>>) target_semaphore(%arg16 : memref<!tpu.dma_semaphore, #tpu.memory_space<semaphore_mem>>)
    %slice3A_12 = vector.extract_strided_slice %get3A_6 {offsets = [1], sizes = [1], strides = [1]} : vector<16xi32> to vector<1xi32>
    %squeeze3A_13 = vector.extract %slice3A_12[0] : i32 from vector<1xi32>
    %and3A_14 = arith.constant -128 : i32
    %and3A_15 = arith.andi %squeeze3A_13, %and3A_14 : i32
    %multiple_of3A_16 = tpu.assume_multiple %and3A_15, 128 : i32
    %dma_start3A_17 = arith.constant 0 : i32
    %dma_start3A_18 = tpu.memref_slice %arg3[%dma_start3A_17, %multiple_of3A_16] : memref<64x1000000xf32, #tpu.memory_space<hbm>> -> memref<64x128xf32, #tpu.memory_space<hbm>>
    %dma_start3A_19 = arith.constant 0 : i32
    %dma_start3A_20 = tpu.memref_slice %arg3[%dma_start3A_19, %multiple_of3A_16] : memref<64x1000000xf32, #tpu.memory_space<hbm>> -> memref<64x128xf32, #tpu.memory_space<hbm>>
    tpu.enqueue_dma source(%dma_start3A_20 : memref<64x128xf32, #tpu.memory_space<hbm>>) target(%arg7 : memref<64x128xf32, #tpu.memory_space<vmem>>) target_semaphore(%arg17 : memref<!tpu.dma_semaphore, #tpu.memory_space<semaphore_mem>>)
    %slice3A_21 = vector.extract_strided_slice %get3A_6 {offsets = [2], sizes = [1], strides = [1]} : vector<16xi32> to vector<1xi32>
    %squeeze3A_22 = vector.extract %slice3A_21[0] : i32 from vector<1xi32>
    %and3A_23 = arith.constant -128 : i32
    %and3A_24 = arith.andi %squeeze3A_22, %and3A_23 : i32
    %multiple_of3A_25 = tpu.assume_multiple %and3A_24, 128 : i32
    %dma_start3A_26 = arith.constant 0 : i32
    %dma_start3A_27 = tpu.memref_slice %arg3[%dma_start3A_26, %multiple_of3A_25] : memref<64x1000000xf32, #tpu.memory_space<hbm>> -> memref<64x128xf32, #tpu.memory_space<hbm>>
    %dma_start3A_28 = arith.constant 0 : i32
    %dma_start3A_29 = tpu.memref_slice %arg3[%dma_start3A_28, %multiple_of3A_25] : memref<64x1000000xf32, #tpu.memory_space<hbm>> -> memref<64x128xf32, #tpu.memory_space<hbm>>
    tpu.enqueue_dma source(%dma_start3A_29 : memref<64x128xf32, #tpu.memory_space<hbm>>) target(%arg8 : memref<64x128xf32, #tpu.memory_space<vmem>>) target_semaphore(%arg18 : memref<!tpu.dma_semaphore, #tpu.memory_space<semaphore_mem>>)
    %slice3A_30 = vector.extract_strided_slice %get3A_6 {offsets = [3], sizes = [1], strides = [1]} : vector<16xi32> to vector<1xi32>
    %squeeze3A_31 = vector.extract %slice3A_30[0] : i32 from vector<1xi32>
    %and3A_32 = arith.constant -128 : i32
    %and3A_33 = arith.andi %squeeze3A_31, %and3A_32 : i32
    %multiple_of3A_34 = tpu.assume_multiple %and3A_33, 128 : i32
    %dma_start3A_35 = arith.constant 0 : i32
    %dma_start3A_36 = tpu.memref_slice %arg3[%dma_start3A_35, %multiple_of3A_34] : memref<64x1000000xf32, #tpu.memory_space<hbm>> -> memref<64x128xf32, #tpu.memory_space<hbm>>
    %dma_start3A_37 = arith.constant 0 : i32
    %dma_start3A_38 = tpu.memref_slice %arg3[%dma_start3A_37, %multiple_of3A_34] : memref<64x1000000xf32, #tpu.memory_space<hbm>> -> memref<64x128xf32, #tpu.memory_space<hbm>>
    tpu.enqueue_dma source(%dma_start3A_38 : memref<64x128xf32, #tpu.memory_space<hbm>>) target(%arg9 : memref<64x128xf32, #tpu.memory_space<vmem>>) target_semaphore(%arg19 : memref<!tpu.dma_semaphore, #tpu.memory_space<semaphore_mem>>)
    %slice3A_39 = vector.extract_strided_slice %get3A_6 {offsets = [4], sizes = [1], strides = [1]} : vector<16xi32> to vector<1xi32>
    %squeeze3A_40 = vector.extract %slice3A_39[0] : i32 from vector<1xi32>
    %and3A_41 = arith.constant -128 : i32
    %and3A_42 = arith.andi %squeeze3A_40, %and3A_41 : i32
    %multiple_of3A_43 = tpu.assume_multiple %and3A_42, 128 : i32
    %dma_start3A_44 = arith.constant 0 : i32
    %dma_start3A_45 = tpu.memref_slice %arg3[%dma_start3A_44, %multiple_of3A_43] : memref<64x1000000xf32, #tpu.memory_space<hbm>> -> memref<64x128xf32, #tpu.memory_space<hbm>>
    %dma_start3A_46 = arith.constant 0 : i32
    %dma_start3A_47 = tpu.memref_slice %arg3[%dma_start3A_46, %multiple_of3A_43] : memref<64x1000000xf32, #tpu.memory_space<hbm>> -> memref<64x128xf32, #tpu.memory_space<hbm>>
    tpu.enqueue_dma source(%dma_start3A_47 : memref<64x128xf32, #tpu.memory_space<hbm>>) target(%arg10 : memref<64x128xf32, #tpu.memory_space<vmem>>) target_semaphore(%arg20 : memref<!tpu.dma_semaphore, #tpu.memory_space<semaphore_mem>>)
    %slice3A_48 = vector.extract_strided_slice %get3A_6 {offsets = [5], sizes = [1], strides = [1]} : vector<16xi32> to vector<1xi32>
    %squeeze3A_49 = vector.extract %slice3A_48[0] : i32 from vector<1xi32>
    %and3A_50 = arith.constant -128 : i32
    %and3A_51 = arith.andi %squeeze3A_49, %and3A_50 : i32
    %multiple_of3A_52 = tpu.assume_multiple %and3A_51, 128 : i32
    %dma_start3A_53 = arith.constant 0 : i32
    %dma_start3A_54 = tpu.memref_slice %arg3[%dma_start3A_53, %multiple_of3A_52] : memref<64x1000000xf32, #tpu.memory_space<hbm>> -> memref<64x128xf32, #tpu.memory_space<hbm>>
    %dma_start3A_55 = arith.constant 0 : i32
    %dma_start3A_56 = tpu.memref_slice %arg3[%dma_start3A_55, %multiple_of3A_52] : memref<64x1000000xf32, #tpu.memory_space<hbm>> -> memref<64x128xf32, #tpu.memory_space<hbm>>
    tpu.enqueue_dma source(%dma_start3A_56 : memref<64x128xf32, #tpu.memory_space<hbm>>) target(%arg11 : memref<64x128xf32, #tpu.memory_space<vmem>>) target_semaphore(%arg21 : memref<!tpu.dma_semaphore, #tpu.memory_space<semaphore_mem>>)
    %slice3A_57 = vector.extract_strided_slice %get3A_6 {offsets = [6], sizes = [1], strides = [1]} : vector<16xi32> to vector<1xi32>
    %squeeze3A_58 = vector.extract %slice3A_57[0] : i32 from vector<1xi32>
    %and3A_59 = arith.constant -128 : i32
    %and3A_60 = arith.andi %squeeze3A_58, %and3A_59 : i32
    %multiple_of3A_61 = tpu.assume_multiple %and3A_60, 128 : i32
    %dma_start3A_62 = arith.constant 0 : i32
    %dma_start3A_63 = tpu.memref_slice %arg3[%dma_start3A_62, %multiple_of3A_61] : memref<64x1000000xf32, #tpu.memory_space<hbm>> -> memref<64x128xf32, #tpu.memory_space<hbm>>
    %dma_start3A_64 = arith.constant 0 : i32
    %dma_start3A_65 = tpu.memref_slice %arg3[%dma_start3A_64, %multiple_of3A_61] : memref<64x1000000xf32, #tpu.memory_space<hbm>> -> memref<64x128xf32, #tpu.memory_space<hbm>>
    tpu.enqueue_dma source(%dma_start3A_65 : memref<64x128xf32, #tpu.memory_space<hbm>>) target(%arg12 : memref<64x128xf32, #tpu.memory_space<vmem>>) target_semaphore(%arg22 : memref<!tpu.dma_semaphore, #tpu.memory_space<semaphore_mem>>)
    %scan3A = arith.constant 0 : i32
    %scan3A_66 = arith.constant 32 : i32
    %scan3A_67 = arith.addi %scan3A, %scan3A_66 : i32
    %scan3A_68 = arith.constant 1 : i32
    scf.for %scan3A_70 = %scan3A to %scan3A_67 step %scan3A_68  : i32 {
      %mul3A_71 = arith.constant 16 : i32
      %mul3A_72 = arith.muli %scan3A_70, %mul3A_71 : i32
      %get3A_73 = arith.index_cast %mul3A_72 : i32 to index
      %get3A_74 = tpu.vector_load %arg5[%get3A_73] {strides = array<i32>} : memref<512xi32, #tpu.memory_space<vmem>>, vector<16xi32>,
      %mul3A_75 = arith.constant 16 : i32
      %mul3A_76 = arith.muli %scan3A_70, %mul3A_75 : i32
      %slice3A_77 = vector.extract_strided_slice %get3A_74 {offsets = [7], sizes = [1], strides = [1]} : vector<16xi32> to vector<1xi32>
      %squeeze3A_78 = vector.extract %slice3A_77[0] : i32 from vector<1xi32>
      %and3A_79 = arith.constant -128 : i32
      %and3A_80 = arith.andi %squeeze3A_78, %and3A_79 : i32
      %multiple_of3A_81 = tpu.assume_multiple %and3A_80, 128 : i32
      %dma_start3A_82 = arith.constant 0 : i32
      %dma_start3A_83 = tpu.memref_slice %arg3[%dma_start3A_82, %multiple_of3A_81] : memref<64x1000000xf32, #tpu.memory_space<hbm>> -> memref<64x128xf32, #tpu.memory_space<hbm>>
      %dma_start3A_84 = arith.constant 0 : i32
      %dma_start3A_85 = tpu.memref_slice %arg3[%dma_start3A_84, %multiple_of3A_81] : memref<64x1000000xf32, #tpu.memory_space<hbm>> -> memref<64x128xf32, #tpu.memory_space<hbm>>
      tpu.enqueue_dma source(%dma_start3A_85 : memref<64x128xf32, #tpu.memory_space<hbm>>) target(%arg13 : memref<64x128xf32, #tpu.memory_space<vmem>>) target_semaphore(%arg23 : memref<!tpu.dma_semaphore, #tpu.memory_space<semaphore_mem>>)
      %dma_wait3A_86 = arith.constant 0 : i32
      %dma_wait3A_87 = arith.constant 0 : i32
      %dma_wait3A_88 = tpu.memref_slice %arg3[%dma_wait3A_86, %dma_wait3A_87] : memref<64x1000000xf32, #tpu.memory_space<hbm>> -> memref<64x128xf32, #tpu.memory_space<hbm>>
      %dma_wait3A_89 = arith.constant 0 : i32
      %dma_wait3A_90 = arith.constant 0 : i32
      %dma_wait3A_91 = tpu.memref_slice %arg3[%dma_wait3A_89, %dma_wait3A_90] : memref<64x1000000xf32, #tpu.memory_space<hbm>> -> memref<64x128xf32, #tpu.memory_space<hbm>>
      tpu.wait_dma2 semaphore(%arg16 : memref<!tpu.dma_semaphore, #tpu.memory_space<semaphore_mem>>) src(%dma_wait3A_91 : memref<64x128xf32, #tpu.memory_space<hbm>>) dst(%arg6 : memref<64x128xf32, #tpu.memory_space<vmem>>)
      %add3A_92 = arith.constant 0 : i32
      %add3A_93 = arith.addi %mul3A_76, %add3A_92 : i32
      %slice3A_94 = vector.extract_strided_slice %get3A_74 {offsets = [0], sizes = [1], strides = [1]} : vector<16xi32> to vector<1xi32>
      %squeeze3A_95 = vector.extract %slice3A_94[0] : i32 from vector<1xi32>
      %and3A_96 = arith.constant 127 : i32
      %and3A_97 = arith.andi %squeeze3A_95, %and3A_96 : i32
      %add3A_98 = vector.broadcast %and3A_97 : i32 to vector<16xi32>
      %add3A_99 = arith.addi %broadcast_in_dim3A_5, %add3A_98 : vector<16xi32>
      %add3A_100 = arith.constant 0 : i32
      %add3A_101 = arith.addi %add3A_93, %add3A_100 : i32
      %add3A_102 = vector.broadcast %add3A_101 : i32 to vector<16xi32>
      %add3A_103 = arith.addi %broadcast_in_dim3A_5, %add3A_102 : vector<16xi32>
      %add3A_104 = arith.constant 0 : i32
      %add3A_105 = vector.broadcast %add3A_104 : i32 to vector<16xi32>
      %add3A_106 = arith.addi %add3A_105, %iota3A : vector<16xi32>
      %gather3A = tpu.vector_load_idx %arg6[%add3A_106, %add3A_99] : memref<64x128xf32, #tpu.memory_space<vmem>>[vector<16xi32>, vector<16xi32>], vector<16xf32>,
      %add3A_107 = arith.constant 0 : i32
      %add3A_108 = vector.broadcast %add3A_107 : i32 to vector<16xi32>
      %add3A_109 = arith.addi %add3A_108, %iota3A : vector<16xi32>
      tpu.vector_store_idx %arg14[%add3A_109, %add3A_103], %gather3A : memref<64x512xf32, #tpu.memory_space<vmem>>[vector<16xi32>, vector<16xi32>], vector<16xf32>,
      %add3A_110 = arith.constant 16 : i32
      %add3A_111 = vector.broadcast %add3A_110 : i32 to vector<16xi32>
      %add3A_112 = arith.addi %add3A_111, %iota3A : vector<16xi32>
      %gather3A_113 = tpu.vector_load_idx %arg6[%add3A_112, %add3A_99] : memref<64x128xf32, #tpu.memory_space<vmem>>[vector<16xi32>, vector<16xi32>], vector<16xf32>,
      %add3A_114 = arith.constant 16 : i32
      %add3A_115 = vector.broadcast %add3A_114 : i32 to vector<16xi32>
      %add3A_116 = arith.addi %add3A_115, %iota3A : vector<16xi32>
      tpu.vector_store_idx %arg14[%add3A_116, %add3A_103], %gather3A_113 : memref<64x512xf32, #tpu.memory_space<vmem>>[vector<16xi32>, vector<16xi32>], vector<16xf32>,
      %add3A_117 = arith.constant 32 : i32
      %add3A_118 = vector.broadcast %add3A_117 : i32 to vector<16xi32>
      %add3A_119 = arith.addi %add3A_118, %iota3A : vector<16xi32>
      %gather3A_120 = tpu.vector_load_idx %arg6[%add3A_119, %add3A_99] : memref<64x128xf32, #tpu.memory_space<vmem>>[vector<16xi32>, vector<16xi32>], vector<16xf32>,
      %add3A_121 = arith.constant 32 : i32
      %add3A_122 = vector.broadcast %add3A_121 : i32 to vector<16xi32>
      %add3A_123 = arith.addi %add3A_122, %iota3A : vector<16xi32>
      tpu.vector_store_idx %arg14[%add3A_123, %add3A_103], %gather3A_120 : memref<64x512xf32, #tpu.memory_space<vmem>>[vector<16xi32>, vector<16xi32>], vector<16xf32>,
      %add3A_124 = arith.constant 48 : i32
      %add3A_125 = vector.broadcast %add3A_124 : i32 to vector<16xi32>
      %add3A_126 = arith.addi %add3A_125, %iota3A : vector<16xi32>
      %gather3A_127 = tpu.vector_load_idx %arg6[%add3A_126, %add3A_99] : memref<64x128xf32, #tpu.memory_space<vmem>>[vector<16xi32>, vector<16xi32>], vector<16xf32>,
      %add3A_128 = arith.constant 48 : i32
      %add3A_129 = vector.broadcast %add3A_128 : i32 to vector<16xi32>
      %add3A_130 = arith.addi %add3A_129, %iota3A : vector<16xi32>
      tpu.vector_store_idx %arg14[%add3A_130, %add3A_103], %gather3A_127 : memref<64x512xf32, #tpu.memory_space<vmem>>[vector<16xi32>, vector<16xi32>], vector<16xf32>,
      %slice3A_131 = vector.extract_strided_slice %get3A_74 {offsets = [8], sizes = [1], strides = [1]} : vector<16xi32> to vector<1xi32>
      %squeeze3A_132 = vector.extract %slice3A_131[0] : i32 from vector<1xi32>
      %and3A_133 = arith.constant -128 : i32
      %and3A_134 = arith.andi %squeeze3A_132, %and3A_133 : i32
      %multiple_of3A_135 = tpu.assume_multiple %and3A_134, 128 : i32
      %dma_start3A_136 = arith.constant 0 : i32
      %dma_start3A_137 = tpu.memref_slice %arg3[%dma_start3A_136, %multiple_of3A_135] : memref<64x1000000xf32, #tpu.memory_space<hbm>> -> memref<64x128xf32, #tpu.memory_space<hbm>>
      %dma_start3A_138 = arith.constant 0 : i32
      %dma_start3A_139 = tpu.memref_slice %arg3[%dma_start3A_138, %multiple_of3A_135] : memref<64x1000000xf32, #tpu.memory_space<hbm>> -> memref<64x128xf32, #tpu.memory_space<hbm>>
      tpu.enqueue_dma source(%dma_start3A_139 : memref<64x128xf32, #tpu.memory_space<hbm>>) target(%arg6 : memref<64x128xf32, #tpu.memory_space<vmem>>) target_semaphore(%arg16 : memref<!tpu.dma_semaphore, #tpu.memory_space<semaphore_mem>>)
      %dma_wait3A_140 = arith.constant 0 : i32
      %dma_wait3A_141 = arith.constant 0 : i32
      %dma_wait3A_142 = tpu.memref_slice %arg3[%dma_wait3A_140, %dma_wait3A_141] : memref<64x1000000xf32, #tpu.memory_space<hbm>> -> memref<64x128xf32, #tpu.memory_space<hbm>>
      %dma_wait3A_143 = arith.constant 0 : i32
      %dma_wait3A_144 = arith.constant 0 : i32
      %dma_wait3A_145 = tpu.memref_slice %arg3[%dma_wait3A_143, %dma_wait3A_144] : memref<64x1000000xf32, #tpu.memory_space<hbm>> -> memref<64x128xf32, #tpu.memory_space<hbm>>
      tpu.wait_dma2 semaphore(%arg17 : memref<!tpu.dma_semaphore, #tpu.memory_space<semaphore_mem>>) src(%dma_wait3A_145 : memref<64x128xf32, #tpu.memory_space<hbm>>) dst(%arg7 : memref<64x128xf32, #tpu.memory_space<vmem>>)
      %add3A_146 = arith.constant 1 : i32
      %add3A_147 = arith.addi %mul3A_76, %add3A_146 : i32
      %slice3A_148 = vector.extract_strided_slice %get3A_74 {offsets = [1], sizes = [1], strides = [1]} : vector<16xi32> to vector<1xi32>
      %squeeze3A_149 = vector.extract %slice3A_148[0] : i32 from vector<1xi32>
      %and3A_150 = arith.constant 127 : i32
      %and3A_151 = arith.andi %squeeze3A_149, %and3A_150 : i32
      %add3A_152 = vector.broadcast %and3A_151 : i32 to vector<16xi32>
      %add3A_153 = arith.addi %broadcast_in_dim3A_5, %add3A_152 : vector<16xi32>
      %add3A_154 = arith.constant 0 : i32
      %add3A_155 = arith.addi %add3A_147, %add3A_154 : i32
      %add3A_156 = vector.broadcast %add3A_155 : i32 to vector<16xi32>
      %add3A_157 = arith.addi %broadcast_in_dim3A_5, %add3A_156 : vector<16xi32>
      %add3A_158 = arith.constant 0 : i32
      %add3A_159 = vector.broadcast %add3A_158 : i32 to vector<16xi32>
      %add3A_160 = arith.addi %add3A_159, %iota3A : vector<16xi32>
      %gather3A_161 = tpu.vector_load_idx %arg7[%add3A_160, %add3A_153] : memref<64x128xf32, #tpu.memory_space<vmem>>[vector<16xi32>, vector<16xi32>], vector<16xf32>,
      %add3A_162 = arith.constant 0 : i32
      %add3A_163 = vector.broadcast %add3A_162 : i32 to vector<16xi32>
      %add3A_164 = arith.addi %add3A_163, %iota3A : vector<16xi32>
      tpu.vector_store_idx %arg14[%add3A_164, %add3A_157], %gather3A_161 : memref<64x512xf32, #tpu.memory_space<vmem>>[vector<16xi32>, vector<16xi32>], vector<16xf32>,
      %add3A_165 = arith.constant 16 : i32
      %add3A_166 = vector.broadcast %add3A_165 : i32 to vector<16xi32>
      %add3A_167 = arith.addi %add3A_166, %iota3A : vector<16xi32>
      %gather3A_168 = tpu.vector_load_idx %arg7[%add3A_167, %add3A_153] : memref<64x128xf32, #tpu.memory_space<vmem>>[vector<16xi32>, vector<16xi32>], vector<16xf32>,
      %add3A_169 = arith.constant 16 : i32
      %add3A_170 = vector.broadcast %add3A_169 : i32 to vector<16xi32>
      %add3A_171 = arith.addi %add3A_170, %iota3A : vector<16xi32>
      tpu.vector_store_idx %arg14[%add3A_171, %add3A_157], %gather3A_168 : memref<64x512xf32, #tpu.memory_space<vmem>>[vector<16xi32>, vector<16xi32>], vector<16xf32>,
      %add3A_172 = arith.constant 32 : i32
      %add3A_173 = vector.broadcast %add3A_172 : i32 to vector<16xi32>
      %add3A_174 = arith.addi %add3A_173, %iota3A : vector<16xi32>
      %gather3A_175 = tpu.vector_load_idx %arg7[%add3A_174, %add3A_153] : memref<64x128xf32, #tpu.memory_space<vmem>>[vector<16xi32>, vector<16xi32>], vector<16xf32>,
      %add3A_176 = arith.constant 32 : i32
      %add3A_177 = vector.broadcast %add3A_176 : i32 to vector<16xi32>
      %add3A_178 = arith.addi %add3A_177, %iota3A : vector<16xi32>
      tpu.vector_store_idx %arg14[%add3A_178, %add3A_157], %gather3A_175 : memref<64x512xf32, #tpu.memory_space<vmem>>[vector<16xi32>, vector<16xi32>], vector<16xf32>,
      %add3A_179 = arith.constant 48 : i32
      %add3A_180 = vector.broadcast %add3A_179 : i32 to vector<16xi32>
      %add3A_181 = arith.addi %add3A_180, %iota3A : vector<16xi32>
      %gather3A_182 = tpu.vector_load_idx %arg7[%add3A_181, %add3A_153] : memref<64x128xf32, #tpu.memory_space<vmem>>[vector<16xi32>, vector<16xi32>], vector<16xf32>,
      %add3A_183 = arith.constant 48 : i32
      %add3A_184 = vector.broadcast %add3A_183 : i32 to vector<16xi32>
      %add3A_185 = arith.addi %add3A_184, %iota3A : vector<16xi32>
      tpu.vector_store_idx %arg14[%add3A_185, %add3A_157], %gather3A_182 : memref<64x512xf32, #tpu.memory_space<vmem>>[vector<16xi32>, vector<16xi32>], vector<16xf32>,
      %slice3A_186 = vector.extract_strided_slice %get3A_74 {offsets = [9], sizes = [1], strides = [1]} : vector<16xi32> to vector<1xi32>
      %squeeze3A_187 = vector.extract %slice3A_186[0] : i32 from vector<1xi32>
      %and3A_188 = arith.constant -128 : i32
      %and3A_189 = arith.andi %squeeze3A_187, %and3A_188 : i32
      %multiple_of3A_190 = tpu.assume_multiple %and3A_189, 128 : i32
      %dma_start3A_191 = arith.constant 0 : i32
      %dma_start3A_192 = tpu.memref_slice %arg3[%dma_start3A_191, %multiple_of3A_190] : memref<64x1000000xf32, #tpu.memory_space<hbm>> -> memref<64x128xf32, #tpu.memory_space<hbm>>
      %dma_start3A_193 = arith.constant 0 : i32
      %dma_start3A_194 = tpu.memref_slice %arg3[%dma_start3A_193, %multiple_of3A_190] : memref<64x1000000xf32, #tpu.memory_space<hbm>> -> memref<64x128xf32, #tpu.memory_space<hbm>>
      tpu.enqueue_dma source(%dma_start3A_194 : memref<64x128xf32, #tpu.memory_space<hbm>>) target(%arg7 : memref<64x128xf32, #tpu.memory_space<vmem>>) target_semaphore(%arg17 : memref<!tpu.dma_semaphore, #tpu.memory_space<semaphore_mem>>)
      %dma_wait3A_195 = arith.constant 0 : i32
      %dma_wait3A_196 = arith.constant 0 : i32
      %dma_wait3A_197 = tpu.memref_slice %arg3[%dma_wait3A_195, %dma_wait3A_196] : memref<64x1000000xf32, #tpu.memory_space<hbm>> -> memref<64x128xf32, #tpu.memory_space<hbm>>
      %dma_wait3A_198 = arith.constant 0 : i32
      %dma_wait3A_199 = arith.constant 0 : i32
      %dma_wait3A_200 = tpu.memref_slice %arg3[%dma_wait3A_198, %dma_wait3A_199] : memref<64x1000000xf32, #tpu.memory_space<hbm>> -> memref<64x128xf32, #tpu.memory_space<hbm>>
      tpu.wait_dma2 semaphore(%arg18 : memref<!tpu.dma_semaphore, #tpu.memory_space<semaphore_mem>>) src(%dma_wait3A_200 : memref<64x128xf32, #tpu.memory_space<hbm>>) dst(%arg8 : memref<64x128xf32, #tpu.memory_space<vmem>>)
      %add3A_201 = arith.constant 2 : i32
      %add3A_202 = arith.addi %mul3A_76, %add3A_201 : i32
      %slice3A_203 = vector.extract_strided_slice %get3A_74 {offsets = [2], sizes = [1], strides = [1]} : vector<16xi32> to vector<1xi32>
      %squeeze3A_204 = vector.extract %slice3A_203[0] : i32 from vector<1xi32>
      %and3A_205 = arith.constant 127 : i32
      %and3A_206 = arith.andi %squeeze3A_204, %and3A_205 : i32
      %add3A_207 = vector.broadcast %and3A_206 : i32 to vector<16xi32>
      %add3A_208 = arith.addi %broadcast_in_dim3A_5, %add3A_207 : vector<16xi32>
      %add3A_209 = arith.constant 0 : i32
      %add3A_210 = arith.addi %add3A_202, %add3A_209 : i32
      %add3A_211 = vector.broadcast %add3A_210 : i32 to vector<16xi32>
      %add3A_212 = arith.addi %broadcast_in_dim3A_5, %add3A_211 : vector<16xi32>
      %add3A_213 = arith.constant 0 : i32
      %add3A_214 = vector.broadcast %add3A_213 : i32 to vector<16xi32>
      %add3A_215 = arith.addi %add3A_214, %iota3A : vector<16xi32>
      %gather3A_216 = tpu.vector_load_idx %arg8[%add3A_215, %add3A_208] : memref<64x128xf32, #tpu.memory_space<vmem>>[vector<16xi32>, vector<16xi32>], vector<16xf32>,
      %add3A_217 = arith.constant 0 : i32
      %add3A_218 = vector.broadcast %add3A_217 : i32 to vector<16xi32>
      %add3A_219 = arith.addi %add3A_218, %iota3A : vector<16xi32>
      tpu.vector_store_idx %arg14[%add3A_219, %add3A_212], %gather3A_216 : memref<64x512xf32, #tpu.memory_space<vmem>>[vector<16xi32>, vector<16xi32>], vector<16xf32>,
      %add3A_220 = arith.constant 16 : i32
      %add3A_221 = vector.broadcast %add3A_220 : i32 to vector<16xi32>
      %add3A_222 = arith.addi %add3A_221, %iota3A : vector<16xi32>
      %gather3A_223 = tpu.vector_load_idx %arg8[%add3A_222, %add3A_208] : memref<64x128xf32, #tpu.memory_space<vmem>>[vector<16xi32>, vector<16xi32>], vector<16xf32>,
      %add3A_224 = arith.constant 16 : i32
      %add3A_225 = vector.broadcast %add3A_224 : i32 to vector<16xi32>
      %add3A_226 = arith.addi %add3A_225, %iota3A : vector<16xi32>
      tpu.vector_store_idx %arg14[%add3A_226, %add3A_212], %gather3A_223 : memref<64x512xf32, #tpu.memory_space<vmem>>[vector<16xi32>, vector<16xi32>], vector<16xf32>,
      %add3A_227 = arith.constant 32 : i32
      %add3A_228 = vector.broadcast %add3A_227 : i32 to vector<16xi32>
      %add3A_229 = arith.addi %add3A_228, %iota3A : vector<16xi32>
      %gather3A_230 = tpu.vector_load_idx %arg8[%add3A_229, %add3A_208] : memref<64x128xf32, #tpu.memory_space<vmem>>[vector<16xi32>, vector<16xi32>], vector<16xf32>,
      %add3A_231 = arith.constant 32 : i32
      %add3A_232 = vector.broadcast %add3A_231 : i32 to vector<16xi32>
      %add3A_233 = arith.addi %add3A_232, %iota3A : vector<16xi32>
      tpu.vector_store_idx %arg14[%add3A_233, %add3A_212], %gather3A_230 : memref<64x512xf32, #tpu.memory_space<vmem>>[vector<16xi32>, vector<16xi32>], vector<16xf32>,
      %add3A_234 = arith.constant 48 : i32
      %add3A_235 = vector.broadcast %add3A_234 : i32 to vector<16xi32>
      %add3A_236 = arith.addi %add3A_235, %iota3A : vector<16xi32>
      %gather3A_237 = tpu.vector_load_idx %arg8[%add3A_236, %add3A_208] : memref<64x128xf32, #tpu.memory_space<vmem>>[vector<16xi32>, vector<16xi32>], vector<16xf32>,
      %add3A_238 = arith.constant 48 : i32
      %add3A_239 = vector.broadcast %add3A_238 : i32 to vector<16xi32>
      %add3A_240 = arith.addi %add3A_239, %iota3A : vector<16xi32>
      tpu.vector_store_idx %arg14[%add3A_240, %add3A_212], %gather3A_237 : memref<64x512xf32, #tpu.memory_space<vmem>>[vector<16xi32>, vector<16xi32>], vector<16xf32>,
      %slice3A_241 = vector.extract_strided_slice %get3A_74 {offsets = [10], sizes = [1], strides = [1]} : vector<16xi32> to vector<1xi32>
      %squeeze3A_242 = vector.extract %slice3A_241[0] : i32 from vector<1xi32>
      %and3A_243 = arith.constant -128 : i32
      %and3A_244 = arith.andi %squeeze3A_242, %and3A_243 : i32
      %multiple_of3A_245 = tpu.assume_multiple %and3A_244, 128 : i32
      %dma_start3A_246 = arith.constant 0 : i32
      %dma_start3A_247 = tpu.memref_slice %arg3[%dma_start3A_246, %multiple_of3A_245] : memref<64x1000000xf32, #tpu.memory_space<hbm>> -> memref<64x128xf32, #tpu.memory_space<hbm>>
      %dma_start3A_248 = arith.constant 0 : i32
      %dma_start3A_249 = tpu.memref_slice %arg3[%dma_start3A_248, %multiple_of3A_245] : memref<64x1000000xf32, #tpu.memory_space<hbm>> -> memref<64x128xf32, #tpu.memory_space<hbm>>
      tpu.enqueue_dma source(%dma_start3A_249 : memref<64x128xf32, #tpu.memory_space<hbm>>) target(%arg8 : memref<64x128xf32, #tpu.memory_space<vmem>>) target_semaphore(%arg18 : memref<!tpu.dma_semaphore, #tpu.memory_space<semaphore_mem>>)
      %dma_wait3A_250 = arith.constant 0 : i32
      %dma_wait3A_251 = arith.constant 0 : i32
      %dma_wait3A_252 = tpu.memref_slice %arg3[%dma_wait3A_250, %dma_wait3A_251] : memref<64x1000000xf32, #tpu.memory_space<hbm>> -> memref<64x128xf32, #tpu.memory_space<hbm>>
      %dma_wait3A_253 = arith.constant 0 : i32
      %dma_wait3A_254 = arith.constant 0 : i32
      %dma_wait3A_255 = tpu.memref_slice %arg3[%dma_wait3A_253, %dma_wait3A_254] : memref<64x1000000xf32, #tpu.memory_space<hbm>> -> memref<64x128xf32, #tpu.memory_space<hbm>>
      tpu.wait_dma2 semaphore(%arg19 : memref<!tpu.dma_semaphore, #tpu.memory_space<semaphore_mem>>) src(%dma_wait3A_255 : memref<64x128xf32, #tpu.memory_space<hbm>>) dst(%arg9 : memref<64x128xf32, #tpu.memory_space<vmem>>)
      %add3A_256 = arith.constant 3 : i32
      %add3A_257 = arith.addi %mul3A_76, %add3A_256 : i32
      %slice3A_258 = vector.extract_strided_slice %get3A_74 {offsets = [3], sizes = [1], strides = [1]} : vector<16xi32> to vector<1xi32>
      %squeeze3A_259 = vector.extract %slice3A_258[0] : i32 from vector<1xi32>
      %and3A_260 = arith.constant 127 : i32
      %and3A_261 = arith.andi %squeeze3A_259, %and3A_260 : i32
      %add3A_262 = vector.broadcast %and3A_261 : i32 to vector<16xi32>
      %add3A_263 = arith.addi %broadcast_in_dim3A_5, %add3A_262 : vector<16xi32>
      %add3A_264 = arith.constant 0 : i32
      %add3A_265 = arith.addi %add3A_257, %add3A_264 : i32
      %add3A_266 = vector.broadcast %add3A_265 : i32 to vector<16xi32>
      %add3A_267 = arith.addi %broadcast_in_dim3A_5, %add3A_266 : vector<16xi32>
      %add3A_268 = arith.constant 0 : i32
      %add3A_269 = vector.broadcast %add3A_268 : i32 to vector<16xi32>
      %add3A_270 = arith.addi %add3A_269, %iota3A : vector<16xi32>
      %gather3A_271 = tpu.vector_load_idx %arg9[%add3A_270, %add3A_263] : memref<64x128xf32, #tpu.memory_space<vmem>>[vector<16xi32>, vector<16xi32>], vector<16xf32>,
      %add3A_272 = arith.constant 0 : i32
      %add3A_273 = vector.broadcast %add3A_272 : i32 to vector<16xi32>
      %add3A_274 = arith.addi %add3A_273, %iota3A : vector<16xi32>
      tpu.vector_store_idx %arg14[%add3A_274, %add3A_267], %gather3A_271 : memref<64x512xf32, #tpu.memory_space<vmem>>[vector<16xi32>, vector<16xi32>], vector<16xf32>,
      %add3A_275 = arith.constant 16 : i32
      %add3A_276 = vector.broadcast %add3A_275 : i32 to vector<16xi32>
      %add3A_277 = arith.addi %add3A_276, %iota3A : vector<16xi32>
      %gather3A_278 = tpu.vector_load_idx %arg9[%add3A_277, %add3A_263] : memref<64x128xf32, #tpu.memory_space<vmem>>[vector<16xi32>, vector<16xi32>], vector<16xf32>,
      %add3A_279 = arith.constant 16 : i32
      %add3A_280 = vector.broadcast %add3A_279 : i32 to vector<16xi32>
      %add3A_281 = arith.addi %add3A_280, %iota3A : vector<16xi32>
      tpu.vector_store_idx %arg14[%add3A_281, %add3A_267], %gather3A_278 : memref<64x512xf32, #tpu.memory_space<vmem>>[vector<16xi32>, vector<16xi32>], vector<16xf32>,
      %add3A_282 = arith.constant 32 : i32
      %add3A_283 = vector.broadcast %add3A_282 : i32 to vector<16xi32>
      %add3A_284 = arith.addi %add3A_283, %iota3A : vector<16xi32>
      %gather3A_285 = tpu.vector_load_idx %arg9[%add3A_284, %add3A_263] : memref<64x128xf32, #tpu.memory_space<vmem>>[vector<16xi32>, vector<16xi32>], vector<16xf32>,
      %add3A_286 = arith.constant 32 : i32
      %add3A_287 = vector.broadcast %add3A_286 : i32 to vector<16xi32>
      %add3A_288 = arith.addi %add3A_287, %iota3A : vector<16xi32>
      tpu.vector_store_idx %arg14[%add3A_288, %add3A_267], %gather3A_285 : memref<64x512xf32, #tpu.memory_space<vmem>>[vector<16xi32>, vector<16xi32>], vector<16xf32>,
      %add3A_289 = arith.constant 48 : i32
      %add3A_290 = vector.broadcast %add3A_289 : i32 to vector<16xi32>
      %add3A_291 = arith.addi %add3A_290, %iota3A : vector<16xi32>
      %gather3A_292 = tpu.vector_load_idx %arg9[%add3A_291, %add3A_263] : memref<64x128xf32, #tpu.memory_space<vmem>>[vector<16xi32>, vector<16xi32>], vector<16xf32>,
      %add3A_293 = arith.constant 48 : i32
      %add3A_294 = vector.broadcast %add3A_293 : i32 to vector<16xi32>
      %add3A_295 = arith.addi %add3A_294, %iota3A : vector<16xi32>
      tpu.vector_store_idx %arg14[%add3A_295, %add3A_267], %gather3A_292 : memref<64x512xf32, #tpu.memory_space<vmem>>[vector<16xi32>, vector<16xi32>], vector<16xf32>,
      %slice3A_296 = vector.extract_strided_slice %get3A_74 {offsets = [11], sizes = [1], strides = [1]} : vector<16xi32> to vector<1xi32>
      %squeeze3A_297 = vector.extract %slice3A_296[0] : i32 from vector<1xi32>
      %and3A_298 = arith.constant -128 : i32
      %and3A_299 = arith.andi %squeeze3A_297, %and3A_298 : i32
      %multiple_of3A_300 = tpu.assume_multiple %and3A_299, 128 : i32
      %dma_start3A_301 = arith.constant 0 : i32
      %dma_start3A_302 = tpu.memref_slice %arg3[%dma_start3A_301, %multiple_of3A_300] : memref<64x1000000xf32, #tpu.memory_space<hbm>> -> memref<64x128xf32, #tpu.memory_space<hbm>>
      %dma_start3A_303 = arith.constant 0 : i32
      %dma_start3A_304 = tpu.memref_slice %arg3[%dma_start3A_303, %multiple_of3A_300] : memref<64x1000000xf32, #tpu.memory_space<hbm>> -> memref<64x128xf32, #tpu.memory_space<hbm>>
      tpu.enqueue_dma source(%dma_start3A_304 : memref<64x128xf32, #tpu.memory_space<hbm>>) target(%arg9 : memref<64x128xf32, #tpu.memory_space<vmem>>) target_semaphore(%arg19 : memref<!tpu.dma_semaphore, #tpu.memory_space<semaphore_mem>>)
      %dma_wait3A_305 = arith.constant 0 : i32
      %dma_wait3A_306 = arith.constant 0 : i32
      %dma_wait3A_307 = tpu.memref_slice %arg3[%dma_wait3A_305, %dma_wait3A_306] : memref<64x1000000xf32, #tpu.memory_space<hbm>> -> memref<64x128xf32, #tpu.memory_space<hbm>>
      %dma_wait3A_308 = arith.constant 0 : i32
      %dma_wait3A_309 = arith.constant 0 : i32
      %dma_wait3A_310 = tpu.memref_slice %arg3[%dma_wait3A_308, %dma_wait3A_309] : memref<64x1000000xf32, #tpu.memory_space<hbm>> -> memref<64x128xf32, #tpu.memory_space<hbm>>
      tpu.wait_dma2 semaphore(%arg20 : memref<!tpu.dma_semaphore, #tpu.memory_space<semaphore_mem>>) src(%dma_wait3A_310 : memref<64x128xf32, #tpu.memory_space<hbm>>) dst(%arg10 : memref<64x128xf32, #tpu.memory_space<vmem>>)
      %add3A_311 = arith.constant 4 : i32
      %add3A_312 = arith.addi %mul3A_76, %add3A_311 : i32
      %slice3A_313 = vector.extract_strided_slice %get3A_74 {offsets = [4], sizes = [1], strides = [1]} : vector<16xi32> to vector<1xi32>
      %squeeze3A_314 = vector.extract %slice3A_313[0] : i32 from vector<1xi32>
      %and3A_315 = arith.constant 127 : i32
      %and3A_316 = arith.andi %squeeze3A_314, %and3A_315 : i32
      %add3A_317 = vector.broadcast %and3A_316 : i32 to vector<16xi32>
      %add3A_318 = arith.addi %broadcast_in_dim3A_5, %add3A_317 : vector<16xi32>
      %add3A_319 = arith.constant 0 : i32
      %add3A_320 = arith.addi %add3A_312, %add3A_319 : i32
      %add3A_321 = vector.broadcast %add3A_320 : i32 to vector<16xi32>
      %add3A_322 = arith.addi %broadcast_in_dim3A_5, %add3A_321 : vector<16xi32>
      %add3A_323 = arith.constant 0 : i32
      %add3A_324 = vector.broadcast %add3A_323 : i32 to vector<16xi32>
      %add3A_325 = arith.addi %add3A_324, %iota3A : vector<16xi32>
      %gather3A_326 = tpu.vector_load_idx %arg10[%add3A_325, %add3A_318] : memref<64x128xf32, #tpu.memory_space<vmem>>[vector<16xi32>, vector<16xi32>], vector<16xf32>,
      %add3A_327 = arith.constant 0 : i32
      %add3A_328 = vector.broadcast %add3A_327 : i32 to vector<16xi32>
      %add3A_329 = arith.addi %add3A_328, %iota3A : vector<16xi32>
      tpu.vector_store_idx %arg14[%add3A_329, %add3A_322], %gather3A_326 : memref<64x512xf32, #tpu.memory_space<vmem>>[vector<16xi32>, vector<16xi32>], vector<16xf32>,
      %add3A_330 = arith.constant 16 : i32
      %add3A_331 = vector.broadcast %add3A_330 : i32 to vector<16xi32>
      %add3A_332 = arith.addi %add3A_331, %iota3A : vector<16xi32>
      %gather3A_333 = tpu.vector_load_idx %arg10[%add3A_332, %add3A_318] : memref<64x128xf32, #tpu.memory_space<vmem>>[vector<16xi32>, vector<16xi32>], vector<16xf32>,
      %add3A_334 = arith.constant 16 : i32
      %add3A_335 = vector.broadcast %add3A_334 : i32 to vector<16xi32>
      %add3A_336 = arith.addi %add3A_335, %iota3A : vector<16xi32>
      tpu.vector_store_idx %arg14[%add3A_336, %add3A_322], %gather3A_333 : memref<64x512xf32, #tpu.memory_space<vmem>>[vector<16xi32>, vector<16xi32>], vector<16xf32>,
      %add3A_337 = arith.constant 32 : i32
      %add3A_338 = vector.broadcast %add3A_337 : i32 to vector<16xi32>
      %add3A_339 = arith.addi %add3A_338, %iota3A : vector<16xi32>
      %gather3A_340 = tpu.vector_load_idx %arg10[%add3A_339, %add3A_318] : memref<64x128xf32, #tpu.memory_space<vmem>>[vector<16xi32>, vector<16xi32>], vector<16xf32>,
      %add3A_341 = arith.constant 32 : i32
      %add3A_342 = vector.broadcast %add3A_341 : i32 to vector<16xi32>
      %add3A_343 = arith.addi %add3A_342, %iota3A : vector<16xi32>
      tpu.vector_store_idx %arg14[%add3A_343, %add3A_322], %gather3A_340 : memref<64x512xf32, #tpu.memory_space<vmem>>[vector<16xi32>, vector<16xi32>], vector<16xf32>,
      %add3A_344 = arith.constant 48 : i32
      %add3A_345 = vector.broadcast %add3A_344 : i32 to vector<16xi32>
      %add3A_346 = arith.addi %add3A_345, %iota3A : vector<16xi32>
      %gather3A_347 = tpu.vector_load_idx %arg10[%add3A_346, %add3A_318] : memref<64x128xf32, #tpu.memory_space<vmem>>[vector<16xi32>, vector<16xi32>], vector<16xf32>,
      %add3A_348 = arith.constant 48 : i32
      %add3A_349 = vector.broadcast %add3A_348 : i32 to vector<16xi32>
      %add3A_350 = arith.addi %add3A_349, %iota3A : vector<16xi32>
      tpu.vector_store_idx %arg14[%add3A_350, %add3A_322], %gather3A_347 : memref<64x512xf32, #tpu.memory_space<vmem>>[vector<16xi32>, vector<16xi32>], vector<16xf32>,
      %slice3A_351 = vector.extract_strided_slice %get3A_74 {offsets = [12], sizes = [1], strides = [1]} : vector<16xi32> to vector<1xi32>
      %squeeze3A_352 = vector.extract %slice3A_351[0] : i32 from vector<1xi32>
      %and3A_353 = arith.constant -128 : i32
      %and3A_354 = arith.andi %squeeze3A_352, %and3A_353 : i32
      %multiple_of3A_355 = tpu.assume_multiple %and3A_354, 128 : i32
      %dma_start3A_356 = arith.constant 0 : i32
      %dma_start3A_357 = tpu.memref_slice %arg3[%dma_start3A_356, %multiple_of3A_355] : memref<64x1000000xf32, #tpu.memory_space<hbm>> -> memref<64x128xf32, #tpu.memory_space<hbm>>
      %dma_start3A_358 = arith.constant 0 : i32
      %dma_start3A_359 = tpu.memref_slice %arg3[%dma_start3A_358, %multiple_of3A_355] : memref<64x1000000xf32, #tpu.memory_space<hbm>> -> memref<64x128xf32, #tpu.memory_space<hbm>>
      tpu.enqueue_dma source(%dma_start3A_359 : memref<64x128xf32, #tpu.memory_space<hbm>>) target(%arg10 : memref<64x128xf32, #tpu.memory_space<vmem>>) target_semaphore(%arg20 : memref<!tpu.dma_semaphore, #tpu.memory_space<semaphore_mem>>)
      %dma_wait3A_360 = arith.constant 0 : i32
      %dma_wait3A_361 = arith.constant 0 : i32
      %dma_wait3A_362 = tpu.memref_slice %arg3[%dma_wait3A_360, %dma_wait3A_361] : memref<64x1000000xf32, #tpu.memory_space<hbm>> -> memref<64x128xf32, #tpu.memory_space<hbm>>
      %dma_wait3A_363 = arith.constant 0 : i32
      %dma_wait3A_364 = arith.constant 0 : i32
      %dma_wait3A_365 = tpu.memref_slice %arg3[%dma_wait3A_363, %dma_wait3A_364] : memref<64x1000000xf32, #tpu.memory_space<hbm>> -> memref<64x128xf32, #tpu.memory_space<hbm>>
      tpu.wait_dma2 semaphore(%arg21 : memref<!tpu.dma_semaphore, #tpu.memory_space<semaphore_mem>>) src(%dma_wait3A_365 : memref<64x128xf32, #tpu.memory_space<hbm>>) dst(%arg11 : memref<64x128xf32, #tpu.memory_space<vmem>>)
      %add3A_366 = arith.constant 5 : i32
      %add3A_367 = arith.addi %mul3A_76, %add3A_366 : i32
      %slice3A_368 = vector.extract_strided_slice %get3A_74 {offsets = [5], sizes = [1], strides = [1]} : vector<16xi32> to vector<1xi32>
      %squeeze3A_369 = vector.extract %slice3A_368[0] : i32 from vector<1xi32>
      %and3A_370 = arith.constant 127 : i32
      %and3A_371 = arith.andi %squeeze3A_369, %and3A_370 : i32
      %add3A_372 = vector.broadcast %and3A_371 : i32 to vector<16xi32>
      %add3A_373 = arith.addi %broadcast_in_dim3A_5, %add3A_372 : vector<16xi32>
      %add3A_374 = arith.constant 0 : i32
      %add3A_375 = arith.addi %add3A_367, %add3A_374 : i32
      %add3A_376 = vector.broadcast %add3A_375 : i32 to vector<16xi32>
      %add3A_377 = arith.addi %broadcast_in_dim3A_5, %add3A_376 : vector<16xi32>
      %add3A_378 = arith.constant 0 : i32
      %add3A_379 = vector.broadcast %add3A_378 : i32 to vector<16xi32>
      %add3A_380 = arith.addi %add3A_379, %iota3A : vector<16xi32>
      %gather3A_381 = tpu.vector_load_idx %arg11[%add3A_380, %add3A_373] : memref<64x128xf32, #tpu.memory_space<vmem>>[vector<16xi32>, vector<16xi32>], vector<16xf32>,
      %add3A_382 = arith.constant 0 : i32
      %add3A_383 = vector.broadcast %add3A_382 : i32 to vector<16xi32>
      %add3A_384 = arith.addi %add3A_383, %iota3A : vector<16xi32>
      tpu.vector_store_idx %arg14[%add3A_384, %add3A_377], %gather3A_381 : memref<64x512xf32, #tpu.memory_space<vmem>>[vector<16xi32>, vector<16xi32>], vector<16xf32>,
      %add3A_385 = arith.constant 16 : i32
      %add3A_386 = vector.broadcast %add3A_385 : i32 to vector<16xi32>
      %add3A_387 = arith.addi %add3A_386, %iota3A : vector<16xi32>
      %gather3A_388 = tpu.vector_load_idx %arg11[%add3A_387, %add3A_373] : memref<64x128xf32, #tpu.memory_space<vmem>>[vector<16xi32>, vector<16xi32>], vector<16xf32>,
      %add3A_389 = arith.constant 16 : i32
      %add3A_390 = vector.broadcast %add3A_389 : i32 to vector<16xi32>
      %add3A_391 = arith.addi %add3A_390, %iota3A : vector<16xi32>
      tpu.vector_store_idx %arg14[%add3A_391, %add3A_377], %gather3A_388 : memref<64x512xf32, #tpu.memory_space<vmem>>[vector<16xi32>, vector<16xi32>], vector<16xf32>,
      %add3A_392 = arith.constant 32 : i32
      %add3A_393 = vector.broadcast %add3A_392 : i32 to vector<16xi32>
      %add3A_394 = arith.addi %add3A_393, %iota3A : vector<16xi32>
      %gather3A_395 = tpu.vector_load_idx %arg11[%add3A_394, %add3A_373] : memref<64x128xf32, #tpu.memory_space<vmem>>[vector<16xi32>, vector<16xi32>], vector<16xf32>,
      %add3A_396 = arith.constant 32 : i32
      %add3A_397 = vector.broadcast %add3A_396 : i32 to vector<16xi32>
      %add3A_398 = arith.addi %add3A_397, %iota3A : vector<16xi32>
      tpu.vector_store_idx %arg14[%add3A_398, %add3A_377], %gather3A_395 : memref<64x512xf32, #tpu.memory_space<vmem>>[vector<16xi32>, vector<16xi32>], vector<16xf32>,
      %add3A_399 = arith.constant 48 : i32
      %add3A_400 = vector.broadcast %add3A_399 : i32 to vector<16xi32>
      %add3A_401 = arith.addi %add3A_400, %iota3A : vector<16xi32>
      %gather3A_402 = tpu.vector_load_idx %arg11[%add3A_401, %add3A_373] : memref<64x128xf32, #tpu.memory_space<vmem>>[vector<16xi32>, vector<16xi32>], vector<16xf32>,
      %add3A_403 = arith.constant 48 : i32
      %add3A_404 = vector.broadcast %add3A_403 : i32 to vector<16xi32>
      %add3A_405 = arith.addi %add3A_404, %iota3A : vector<16xi32>
      tpu.vector_store_idx %arg14[%add3A_405, %add3A_377], %gather3A_402 : memref<64x512xf32, #tpu.memory_space<vmem>>[vector<16xi32>, vector<16xi32>], vector<16xf32>,
      %slice3A_406 = vector.extract_strided_slice %get3A_74 {offsets = [13], sizes = [1], strides = [1]} : vector<16xi32> to vector<1xi32>
      %squeeze3A_407 = vector.extract %slice3A_406[0] : i32 from vector<1xi32>
      %and3A_408 = arith.constant -128 : i32
      %and3A_409 = arith.andi %squeeze3A_407, %and3A_408 : i32
      %multiple_of3A_410 = tpu.assume_multiple %and3A_409, 128 : i32
      %dma_start3A_411 = arith.constant 0 : i32
      %dma_start3A_412 = tpu.memref_slice %arg3[%dma_start3A_411, %multiple_of3A_410] : memref<64x1000000xf32, #tpu.memory_space<hbm>> -> memref<64x128xf32, #tpu.memory_space<hbm>>
      %dma_start3A_413 = arith.constant 0 : i32
      %dma_start3A_414 = tpu.memref_slice %arg3[%dma_start3A_413, %multiple_of3A_410] : memref<64x1000000xf32, #tpu.memory_space<hbm>> -> memref<64x128xf32, #tpu.memory_space<hbm>>
      tpu.enqueue_dma source(%dma_start3A_414 : memref<64x128xf32, #tpu.memory_space<hbm>>) target(%arg11 : memref<64x128xf32, #tpu.memory_space<vmem>>) target_semaphore(%arg21 : memref<!tpu.dma_semaphore, #tpu.memory_space<semaphore_mem>>)
      %dma_wait3A_415 = arith.constant 0 : i32
      %dma_wait3A_416 = arith.constant 0 : i32
      %dma_wait3A_417 = tpu.memref_slice %arg3[%dma_wait3A_415, %dma_wait3A_416] : memref<64x1000000xf32, #tpu.memory_space<hbm>> -> memref<64x128xf32, #tpu.memory_space<hbm>>
      %dma_wait3A_418 = arith.constant 0 : i32
      %dma_wait3A_419 = arith.constant 0 : i32
      %dma_wait3A_420 = tpu.memref_slice %arg3[%dma_wait3A_418, %dma_wait3A_419] : memref<64x1000000xf32, #tpu.memory_space<hbm>> -> memref<64x128xf32, #tpu.memory_space<hbm>>
      tpu.wait_dma2 semaphore(%arg22 : memref<!tpu.dma_semaphore, #tpu.memory_space<semaphore_mem>>) src(%dma_wait3A_420 : memref<64x128xf32, #tpu.memory_space<hbm>>) dst(%arg12 : memref<64x128xf32, #tpu.memory_space<vmem>>)
      %add3A_421 = arith.constant 6 : i32
      %add3A_422 = arith.addi %mul3A_76, %add3A_421 : i32
      %slice3A_423 = vector.extract_strided_slice %get3A_74 {offsets = [6], sizes = [1], strides = [1]} : vector<16xi32> to vector<1xi32>
      %squeeze3A_424 = vector.extract %slice3A_423[0] : i32 from vector<1xi32>
      %and3A_425 = arith.constant 127 : i32
      %and3A_426 = arith.andi %squeeze3A_424, %and3A_425 : i32
      %add3A_427 = vector.broadcast %and3A_426 : i32 to vector<16xi32>
      %add3A_428 = arith.addi %broadcast_in_dim3A_5, %add3A_427 : vector<16xi32>
      %add3A_429 = arith.constant 0 : i32
      %add3A_430 = arith.addi %add3A_422, %add3A_429 : i32
      %add3A_431 = vector.broadcast %add3A_430 : i32 to vector<16xi32>
      %add3A_432 = arith.addi %broadcast_in_dim3A_5, %add3A_431 : vector<16xi32>
      %add3A_433 = arith.constant 0 : i32
      %add3A_434 = vector.broadcast %add3A_433 : i32 to vector<16xi32>
      %add3A_435 = arith.addi %add3A_434, %iota3A : vector<16xi32>
      %gather3A_436 = tpu.vector_load_idx %arg12[%add3A_435, %add3A_428] : memref<64x128xf32, #tpu.memory_space<vmem>>[vector<16xi32>, vector<16xi32>], vector<16xf32>,
      %add3A_437 = arith.constant 0 : i32
      %add3A_438 = vector.broadcast %add3A_437 : i32 to vector<16xi32>
      %add3A_439 = arith.addi %add3A_438, %iota3A : vector<16xi32>
      tpu.vector_store_idx %arg14[%add3A_439, %add3A_432], %gather3A_436 : memref<64x512xf32, #tpu.memory_space<vmem>>[vector<16xi32>, vector<16xi32>], vector<16xf32>,
      %add3A_440 = arith.constant 16 : i32
      %add3A_441 = vector.broadcast %add3A_440 : i32 to vector<16xi32>
      %add3A_442 = arith.addi %add3A_441, %iota3A : vector<16xi32>
      %gather3A_443 = tpu.vector_load_idx %arg12[%add3A_442, %add3A_428] : memref<64x128xf32, #tpu.memory_space<vmem>>[vector<16xi32>, vector<16xi32>], vector<16xf32>,
      %add3A_444 = arith.constant 16 : i32
      %add3A_445 = vector.broadcast %add3A_444 : i32 to vector<16xi32>
      %add3A_446 = arith.addi %add3A_445, %iota3A : vector<16xi32>
      tpu.vector_store_idx %arg14[%add3A_446, %add3A_432], %gather3A_443 : memref<64x512xf32, #tpu.memory_space<vmem>>[vector<16xi32>, vector<16xi32>], vector<16xf32>,
      %add3A_447 = arith.constant 32 : i32
      %add3A_448 = vector.broadcast %add3A_447 : i32 to vector<16xi32>
      %add3A_449 = arith.addi %add3A_448, %iota3A : vector<16xi32>
      %gather3A_450 = tpu.vector_load_idx %arg12[%add3A_449, %add3A_428] : memref<64x128xf32, #tpu.memory_space<vmem>>[vector<16xi32>, vector<16xi32>], vector<16xf32>,
      %add3A_451 = arith.constant 32 : i32
      %add3A_452 = vector.broadcast %add3A_451 : i32 to vector<16xi32>
      %add3A_453 = arith.addi %add3A_452, %iota3A : vector<16xi32>
      tpu.vector_store_idx %arg14[%add3A_453, %add3A_432], %gather3A_450 : memref<64x512xf32, #tpu.memory_space<vmem>>[vector<16xi32>, vector<16xi32>], vector<16xf32>,
      %add3A_454 = arith.constant 48 : i32
      %add3A_455 = vector.broadcast %add3A_454 : i32 to vector<16xi32>
      %add3A_456 = arith.addi %add3A_455, %iota3A : vector<16xi32>
      %gather3A_457 = tpu.vector_load_idx %arg12[%add3A_456, %add3A_428] : memref<64x128xf32, #tpu.memory_space<vmem>>[vector<16xi32>, vector<16xi32>], vector<16xf32>,
      %add3A_458 = arith.constant 48 : i32
      %add3A_459 = vector.broadcast %add3A_458 : i32 to vector<16xi32>
      %add3A_460 = arith.addi %add3A_459, %iota3A : vector<16xi32>
      tpu.vector_store_idx %arg14[%add3A_460, %add3A_432], %gather3A_457 : memref<64x512xf32, #tpu.memory_space<vmem>>[vector<16xi32>, vector<16xi32>], vector<16xf32>,
      %slice3A_461 = vector.extract_strided_slice %get3A_74 {offsets = [14], sizes = [1], strides = [1]} : vector<16xi32> to vector<1xi32>
      %squeeze3A_462 = vector.extract %slice3A_461[0] : i32 from vector<1xi32>
      %and3A_463 = arith.constant -128 : i32
      %and3A_464 = arith.andi %squeeze3A_462, %and3A_463 : i32
      %multiple_of3A_465 = tpu.assume_multiple %and3A_464, 128 : i32
      %dma_start3A_466 = arith.constant 0 : i32
      %dma_start3A_467 = tpu.memref_slice %arg3[%dma_start3A_466, %multiple_of3A_465] : memref<64x1000000xf32, #tpu.memory_space<hbm>> -> memref<64x128xf32, #tpu.memory_space<hbm>>
      %dma_start3A_468 = arith.constant 0 : i32
      %dma_start3A_469 = tpu.memref_slice %arg3[%dma_start3A_468, %multiple_of3A_465] : memref<64x1000000xf32, #tpu.memory_space<hbm>> -> memref<64x128xf32, #tpu.memory_space<hbm>>
      tpu.enqueue_dma source(%dma_start3A_469 : memref<64x128xf32, #tpu.memory_space<hbm>>) target(%arg12 : memref<64x128xf32, #tpu.memory_space<vmem>>) target_semaphore(%arg22 : memref<!tpu.dma_semaphore, #tpu.memory_space<semaphore_mem>>)
      %dma_wait3A_470 = arith.constant 0 : i32
      %dma_wait3A_471 = arith.constant 0 : i32
      %dma_wait3A_472 = tpu.memref_slice %arg3[%dma_wait3A_470, %dma_wait3A_471] : memref<64x1000000xf32, #tpu.memory_space<hbm>> -> memref<64x128xf32, #tpu.memory_space<hbm>>
      %dma_wait3A_473 = arith.constant 0 : i32
      %dma_wait3A_474 = arith.constant 0 : i32
      %dma_wait3A_475 = tpu.memref_slice %arg3[%dma_wait3A_473, %dma_wait3A_474] : memref<64x1000000xf32, #tpu.memory_space<hbm>> -> memref<64x128xf32, #tpu.memory_space<hbm>>
      tpu.wait_dma2 semaphore(%arg23 : memref<!tpu.dma_semaphore, #tpu.memory_space<semaphore_mem>>) src(%dma_wait3A_475 : memref<64x128xf32, #tpu.memory_space<hbm>>) dst(%arg13 : memref<64x128xf32, #tpu.memory_space<vmem>>)
      %add3A_476 = arith.constant 7 : i32
      %add3A_477 = arith.addi %mul3A_76, %add3A_476 : i32
      %slice3A_478 = vector.extract_strided_slice %get3A_74 {offsets = [7], sizes = [1], strides = [1]} : vector<16xi32> to vector<1xi32>
      %squeeze3A_479 = vector.extract %slice3A_478[0] : i32 from vector<1xi32>
      %and3A_480 = arith.constant 127 : i32
      %and3A_481 = arith.andi %squeeze3A_479, %and3A_480 : i32
      %add3A_482 = vector.broadcast %and3A_481 : i32 to vector<16xi32>
      %add3A_483 = arith.addi %broadcast_in_dim3A_5, %add3A_482 : vector<16xi32>
      %add3A_484 = arith.constant 0 : i32
      %add3A_485 = arith.addi %add3A_477, %add3A_484 : i32
      %add3A_486 = vector.broadcast %add3A_485 : i32 to vector<16xi32>
      %add3A_487 = arith.addi %broadcast_in_dim3A_5, %add3A_486 : vector<16xi32>
      %add3A_488 = arith.constant 0 : i32
      %add3A_489 = vector.broadcast %add3A_488 : i32 to vector<16xi32>
      %add3A_490 = arith.addi %add3A_489, %iota3A : vector<16xi32>
      %gather3A_491 = tpu.vector_load_idx %arg13[%add3A_490, %add3A_483] : memref<64x128xf32, #tpu.memory_space<vmem>>[vector<16xi32>, vector<16xi32>], vector<16xf32>,
      %add3A_492 = arith.constant 0 : i32
      %add3A_493 = vector.broadcast %add3A_492 : i32 to vector<16xi32>
      %add3A_494 = arith.addi %add3A_493, %iota3A : vector<16xi32>
      tpu.vector_store_idx %arg14[%add3A_494, %add3A_487], %gather3A_491 : memref<64x512xf32, #tpu.memory_space<vmem>>[vector<16xi32>, vector<16xi32>], vector<16xf32>,
      %add3A_495 = arith.constant 16 : i32
      %add3A_496 = vector.broadcast %add3A_495 : i32 to vector<16xi32>
      %add3A_497 = arith.addi %add3A_496, %iota3A : vector<16xi32>
      %gather3A_498 = tpu.vector_load_idx %arg13[%add3A_497, %add3A_483] : memref<64x128xf32, #tpu.memory_space<vmem>>[vector<16xi32>, vector<16xi32>], vector<16xf32>,
      %add3A_499 = arith.constant 16 : i32
      %add3A_500 = vector.broadcast %add3A_499 : i32 to vector<16xi32>
      %add3A_501 = arith.addi %add3A_500, %iota3A : vector<16xi32>
      tpu.vector_store_idx %arg14[%add3A_501, %add3A_487], %gather3A_498 : memref<64x512xf32, #tpu.memory_space<vmem>>[vector<16xi32>, vector<16xi32>], vector<16xf32>,
      %add3A_502 = arith.constant 32 : i32
      %add3A_503 = vector.broadcast %add3A_502 : i32 to vector<16xi32>
      %add3A_504 = arith.addi %add3A_503, %iota3A : vector<16xi32>
      %gather3A_505 = tpu.vector_load_idx %arg13[%add3A_504, %add3A_483] : memref<64x128xf32, #tpu.memory_space<vmem>>[vector<16xi32>, vector<16xi32>], vector<16xf32>,
      %add3A_506 = arith.constant 32 : i32
      %add3A_507 = vector.broadcast %add3A_506 : i32 to vector<16xi32>
      %add3A_508 = arith.addi %add3A_507, %iota3A : vector<16xi32>
      tpu.vector_store_idx %arg14[%add3A_508, %add3A_487], %gather3A_505 : memref<64x512xf32, #tpu.memory_space<vmem>>[vector<16xi32>, vector<16xi32>], vector<16xf32>,
      %add3A_509 = arith.constant 48 : i32
      %add3A_510 = vector.broadcast %add3A_509 : i32 to vector<16xi32>
      %add3A_511 = arith.addi %add3A_510, %iota3A : vector<16xi32>
      %gather3A_512 = tpu.vector_load_idx %arg13[%add3A_511, %add3A_483] : memref<64x128xf32, #tpu.memory_space<vmem>>[vector<16xi32>, vector<16xi32>], vector<16xf32>,
      %add3A_513 = arith.constant 48 : i32
      %add3A_514 = vector.broadcast %add3A_513 : i32 to vector<16xi32>
      %add3A_515 = arith.addi %add3A_514, %iota3A : vector<16xi32>
      tpu.vector_store_idx %arg14[%add3A_515, %add3A_487], %gather3A_512 : memref<64x512xf32, #tpu.memory_space<vmem>>[vector<16xi32>, vector<16xi32>], vector<16xf32>,
      %slice3A_516 = vector.extract_strided_slice %get3A_74 {offsets = [15], sizes = [1], strides = [1]} : vector<16xi32> to vector<1xi32>
      %squeeze3A_517 = vector.extract %slice3A_516[0] : i32 from vector<1xi32>
      %and3A_518 = arith.constant -128 : i32
      %and3A_519 = arith.andi %squeeze3A_517, %and3A_518 : i32
      %multiple_of3A_520 = tpu.assume_multiple %and3A_519, 128 : i32
      %dma_start3A_521 = arith.constant 0 : i32
      %dma_start3A_522 = tpu.memref_slice %arg3[%dma_start3A_521, %multiple_of3A_520] : memref<64x1000000xf32, #tpu.memory_space<hbm>> -> memref<64x128xf32, #tpu.memory_space<hbm>>
      %dma_start3A_523 = arith.constant 0 : i32
      %dma_start3A_524 = tpu.memref_slice %arg3[%dma_start3A_523, %multiple_of3A_520] : memref<64x1000000xf32, #tpu.memory_space<hbm>> -> memref<64x128xf32, #tpu.memory_space<hbm>>
      tpu.enqueue_dma source(%dma_start3A_524 : memref<64x128xf32, #tpu.memory_space<hbm>>) target(%arg13 : memref<64x128xf32, #tpu.memory_space<vmem>>) target_semaphore(%arg23 : memref<!tpu.dma_semaphore, #tpu.memory_space<semaphore_mem>>)
      %dma_wait3A_525 = arith.constant 0 : i32
      %dma_wait3A_526 = arith.constant 0 : i32
      %dma_wait3A_527 = tpu.memref_slice %arg3[%dma_wait3A_525, %dma_wait3A_526] : memref<64x1000000xf32, #tpu.memory_space<hbm>> -> memref<64x128xf32, #tpu.memory_space<hbm>>
      %dma_wait3A_528 = arith.constant 0 : i32
      %dma_wait3A_529 = arith.constant 0 : i32
      %dma_wait3A_530 = tpu.memref_slice %arg3[%dma_wait3A_528, %dma_wait3A_529] : memref<64x1000000xf32, #tpu.memory_space<hbm>> -> memref<64x128xf32, #tpu.memory_space<hbm>>
      tpu.wait_dma2 semaphore(%arg16 : memref<!tpu.dma_semaphore, #tpu.memory_space<semaphore_mem>>) src(%dma_wait3A_530 : memref<64x128xf32, #tpu.memory_space<hbm>>) dst(%arg6 : memref<64x128xf32, #tpu.memory_space<vmem>>)
      %add3A_531 = arith.constant 8 : i32
      %add3A_532 = arith.addi %mul3A_76, %add3A_531 : i32
      %slice3A_533 = vector.extract_strided_slice %get3A_74 {offsets = [8], sizes = [1], strides = [1]} : vector<16xi32> to vector<1xi32>
      %squeeze3A_534 = vector.extract %slice3A_533[0] : i32 from vector<1xi32>
      %and3A_535 = arith.constant 127 : i32
      %and3A_536 = arith.andi %squeeze3A_534, %and3A_535 : i32
      %add3A_537 = vector.broadcast %and3A_536 : i32 to vector<16xi32>
      %add3A_538 = arith.addi %broadcast_in_dim3A_5, %add3A_537 : vector<16xi32>
      %add3A_539 = arith.constant 0 : i32
      %add3A_540 = arith.addi %add3A_532, %add3A_539 : i32
      %add3A_541 = vector.broadcast %add3A_540 : i32 to vector<16xi32>
      %add3A_542 = arith.addi %broadcast_in_dim3A_5, %add3A_541 : vector<16xi32>
      %add3A_543 = arith.constant 0 : i32
      %add3A_544 = vector.broadcast %add3A_543 : i32 to vector<16xi32>
      %add3A_545 = arith.addi %add3A_544, %iota3A : vector<16xi32>
      %gather3A_546 = tpu.vector_load_idx %arg6[%add3A_545, %add3A_538] : memref<64x128xf32, #tpu.memory_space<vmem>>[vector<16xi32>, vector<16xi32>], vector<16xf32>,
      %add3A_547 = arith.constant 0 : i32
      %add3A_548 = vector.broadcast %add3A_547 : i32 to vector<16xi32>
      %add3A_549 = arith.addi %add3A_548, %iota3A : vector<16xi32>
      tpu.vector_store_idx %arg14[%add3A_549, %add3A_542], %gather3A_546 : memref<64x512xf32, #tpu.memory_space<vmem>>[vector<16xi32>, vector<16xi32>], vector<16xf32>,
      %add3A_550 = arith.constant 16 : i32
      %add3A_551 = vector.broadcast %add3A_550 : i32 to vector<16xi32>
      %add3A_552 = arith.addi %add3A_551, %iota3A : vector<16xi32>
      %gather3A_553 = tpu.vector_load_idx %arg6[%add3A_552, %add3A_538] : memref<64x128xf32, #tpu.memory_space<vmem>>[vector<16xi32>, vector<16xi32>], vector<16xf32>,
      %add3A_554 = arith.constant 16 : i32
      %add3A_555 = vector.broadcast %add3A_554 : i32 to vector<16xi32>
      %add3A_556 = arith.addi %add3A_555, %iota3A : vector<16xi32>
      tpu.vector_store_idx %arg14[%add3A_556, %add3A_542], %gather3A_553 : memref<64x512xf32, #tpu.memory_space<vmem>>[vector<16xi32>, vector<16xi32>], vector<16xf32>,
      %add3A_557 = arith.constant 32 : i32
      %add3A_558 = vector.broadcast %add3A_557 : i32 to vector<16xi32>
      %add3A_559 = arith.addi %add3A_558, %iota3A : vector<16xi32>
      %gather3A_560 = tpu.vector_load_idx %arg6[%add3A_559, %add3A_538] : memref<64x128xf32, #tpu.memory_space<vmem>>[vector<16xi32>, vector<16xi32>], vector<16xf32>,
      %add3A_561 = arith.constant 32 : i32
      %add3A_562 = vector.broadcast %add3A_561 : i32 to vector<16xi32>
      %add3A_563 = arith.addi %add3A_562, %iota3A : vector<16xi32>
      tpu.vector_store_idx %arg14[%add3A_563, %add3A_542], %gather3A_560 : memref<64x512xf32, #tpu.memory_space<vmem>>[vector<16xi32>, vector<16xi32>], vector<16xf32>,
      %add3A_564 = arith.constant 48 : i32
      %add3A_565 = vector.broadcast %add3A_564 : i32 to vector<16xi32>
      %add3A_566 = arith.addi %add3A_565, %iota3A : vector<16xi32>
      %gather3A_567 = tpu.vector_load_idx %arg6[%add3A_566, %add3A_538] : memref<64x128xf32, #tpu.memory_space<vmem>>[vector<16xi32>, vector<16xi32>], vector<16xf32>,
      %add3A_568 = arith.constant 48 : i32
      %add3A_569 = vector.broadcast %add3A_568 : i32 to vector<16xi32>
      %add3A_570 = arith.addi %add3A_569, %iota3A : vector<16xi32>
      tpu.vector_store_idx %arg14[%add3A_570, %add3A_542], %gather3A_567 : memref<64x512xf32, #tpu.memory_space<vmem>>[vector<16xi32>, vector<16xi32>], vector<16xf32>,
      %lt3A = arith.constant 31 : i32
      %lt3A_571 = arith.cmpi slt, %scan3A_70, %lt3A : i32
      %convert_element_type3A = arith.extui %lt3A_571 : i1 to i32
      %cond3A = arith.constant 0 : i32
      %cond3A_572 = arith.cmpi ne, %convert_element_type3A, %cond3A : i32
      scf.if %cond3A_572 {
        %add3A_925 = arith.constant 1 : i32
        %add3A_926 = arith.addi %scan3A_70, %add3A_925 : i32
        %mul3A_927 = arith.constant 16 : i32
        %mul3A_928 = arith.muli %add3A_926, %mul3A_927 : i32
        %get3A_929 = arith.index_cast %mul3A_928 : i32 to index
        %get3A_930 = tpu.vector_load %arg5[%get3A_929] {strides = array<i32>} : memref<512xi32, #tpu.memory_space<vmem>>, vector<16xi32>,
        %slice3A_931 = vector.extract_strided_slice %get3A_930 {offsets = [0], sizes = [1], strides = [1]} : vector<16xi32> to vector<1xi32>
        %squeeze3A_932 = vector.extract %slice3A_931[0] : i32 from vector<1xi32>
        %and3A_933 = arith.constant -128 : i32
        %and3A_934 = arith.andi %squeeze3A_932, %and3A_933 : i32
        %multiple_of3A_935 = tpu.assume_multiple %and3A_934, 128 : i32
        %dma_start3A_936 = arith.constant 0 : i32
        %dma_start3A_937 = tpu.memref_slice %arg3[%dma_start3A_936, %multiple_of3A_935] : memref<64x1000000xf32, #tpu.memory_space<hbm>> -> memref<64x128xf32, #tpu.memory_space<hbm>>
        %dma_start3A_938 = arith.constant 0 : i32
        %dma_start3A_939 = tpu.memref_slice %arg3[%dma_start3A_938, %multiple_of3A_935] : memref<64x1000000xf32, #tpu.memory_space<hbm>> -> memref<64x128xf32, #tpu.memory_space<hbm>>
        tpu.enqueue_dma source(%dma_start3A_939 : memref<64x128xf32, #tpu.memory_space<hbm>>) target(%arg6 : memref<64x128xf32, #tpu.memory_space<vmem>>) target_semaphore(%arg16 : memref<!tpu.dma_semaphore, #tpu.memory_space<semaphore_mem>>)
      } else {
      }
      %dma_wait3A_573 = arith.constant 0 : i32
      %dma_wait3A_574 = arith.constant 0 : i32
      %dma_wait3A_575 = tpu.memref_slice %arg3[%dma_wait3A_573, %dma_wait3A_574] : memref<64x1000000xf32, #tpu.memory_space<hbm>> -> memref<64x128xf32, #tpu.memory_space<hbm>>
      %dma_wait3A_576 = arith.constant 0 : i32
      %dma_wait3A_577 = arith.constant 0 : i32
      %dma_wait3A_578 = tpu.memref_slice %arg3[%dma_wait3A_576, %dma_wait3A_577] : memref<64x1000000xf32, #tpu.memory_space<hbm>> -> memref<64x128xf32, #tpu.memory_space<hbm>>
      tpu.wait_dma2 semaphore(%arg17 : memref<!tpu.dma_semaphore, #tpu.memory_space<semaphore_mem>>) src(%dma_wait3A_578 : memref<64x128xf32, #tpu.memory_space<hbm>>) dst(%arg7 : memref<64x128xf32, #tpu.memory_space<vmem>>)
      %add3A_579 = arith.constant 9 : i32
      %add3A_580 = arith.addi %mul3A_76, %add3A_579 : i32
      %slice3A_581 = vector.extract_strided_slice %get3A_74 {offsets = [9], sizes = [1], strides = [1]} : vector<16xi32> to vector<1xi32>
      %squeeze3A_582 = vector.extract %slice3A_581[0] : i32 from vector<1xi32>
      %and3A_583 = arith.constant 127 : i32
      %and3A_584 = arith.andi %squeeze3A_582, %and3A_583 : i32
      %add3A_585 = vector.broadcast %and3A_584 : i32 to vector<16xi32>
      %add3A_586 = arith.addi %broadcast_in_dim3A_5, %add3A_585 : vector<16xi32>
      %add3A_587 = arith.constant 0 : i32
      %add3A_588 = arith.addi %add3A_580, %add3A_587 : i32
      %add3A_589 = vector.broadcast %add3A_588 : i32 to vector<16xi32>
      %add3A_590 = arith.addi %broadcast_in_dim3A_5, %add3A_589 : vector<16xi32>
      %add3A_591 = arith.constant 0 : i32
      %add3A_592 = vector.broadcast %add3A_591 : i32 to vector<16xi32>
      %add3A_593 = arith.addi %add3A_592, %iota3A : vector<16xi32>
      %gather3A_594 = tpu.vector_load_idx %arg7[%add3A_593, %add3A_586] : memref<64x128xf32, #tpu.memory_space<vmem>>[vector<16xi32>, vector<16xi32>], vector<16xf32>,
      %add3A_595 = arith.constant 0 : i32
      %add3A_596 = vector.broadcast %add3A_595 : i32 to vector<16xi32>
      %add3A_597 = arith.addi %add3A_596, %iota3A : vector<16xi32>
      tpu.vector_store_idx %arg14[%add3A_597, %add3A_590], %gather3A_594 : memref<64x512xf32, #tpu.memory_space<vmem>>[vector<16xi32>, vector<16xi32>], vector<16xf32>,
      %add3A_598 = arith.constant 16 : i32
      %add3A_599 = vector.broadcast %add3A_598 : i32 to vector<16xi32>
      %add3A_600 = arith.addi %add3A_599, %iota3A : vector<16xi32>
      %gather3A_601 = tpu.vector_load_idx %arg7[%add3A_600, %add3A_586] : memref<64x128xf32, #tpu.memory_space<vmem>>[vector<16xi32>, vector<16xi32>], vector<16xf32>,
      %add3A_602 = arith.constant 16 : i32
      %add3A_603 = vector.broadcast %add3A_602 : i32 to vector<16xi32>
      %add3A_604 = arith.addi %add3A_603, %iota3A : vector<16xi32>
      tpu.vector_store_idx %arg14[%add3A_604, %add3A_590], %gather3A_601 : memref<64x512xf32, #tpu.memory_space<vmem>>[vector<16xi32>, vector<16xi32>], vector<16xf32>,
      %add3A_605 = arith.constant 32 : i32
      %add3A_606 = vector.broadcast %add3A_605 : i32 to vector<16xi32>
      %add3A_607 = arith.addi %add3A_606, %iota3A : vector<16xi32>
      %gather3A_608 = tpu.vector_load_idx %arg7[%add3A_607, %add3A_586] : memref<64x128xf32, #tpu.memory_space<vmem>>[vector<16xi32>, vector<16xi32>], vector<16xf32>,
      %add3A_609 = arith.constant 32 : i32
      %add3A_610 = vector.broadcast %add3A_609 : i32 to vector<16xi32>
      %add3A_611 = arith.addi %add3A_610, %iota3A : vector<16xi32>
      tpu.vector_store_idx %arg14[%add3A_611, %add3A_590], %gather3A_608 : memref<64x512xf32, #tpu.memory_space<vmem>>[vector<16xi32>, vector<16xi32>], vector<16xf32>,
      %add3A_612 = arith.constant 48 : i32
      %add3A_613 = vector.broadcast %add3A_612 : i32 to vector<16xi32>
      %add3A_614 = arith.addi %add3A_613, %iota3A : vector<16xi32>
      %gather3A_615 = tpu.vector_load_idx %arg7[%add3A_614, %add3A_586] : memref<64x128xf32, #tpu.memory_space<vmem>>[vector<16xi32>, vector<16xi32>], vector<16xf32>,
      %add3A_616 = arith.constant 48 : i32
      %add3A_617 = vector.broadcast %add3A_616 : i32 to vector<16xi32>
      %add3A_618 = arith.addi %add3A_617, %iota3A : vector<16xi32>
      tpu.vector_store_idx %arg14[%add3A_618, %add3A_590], %gather3A_615 : memref<64x512xf32, #tpu.memory_space<vmem>>[vector<16xi32>, vector<16xi32>], vector<16xf32>,
      %lt3A_619 = arith.constant 31 : i32
      %lt3A_620 = arith.cmpi slt, %scan3A_70, %lt3A_619 : i32
      %convert_element_type3A_621 = arith.extui %lt3A_620 : i1 to i32
      %cond3A_622 = arith.constant 0 : i32
      %cond3A_623 = arith.cmpi ne, %convert_element_type3A_621, %cond3A_622 : i32
      scf.if %cond3A_623 {
        %add3A_925 = arith.constant 1 : i32
        %add3A_926 = arith.addi %scan3A_70, %add3A_925 : i32
        %mul3A_927 = arith.constant 16 : i32
        %mul3A_928 = arith.muli %add3A_926, %mul3A_927 : i32
        %get3A_929 = arith.index_cast %mul3A_928 : i32 to index
        %get3A_930 = tpu.vector_load %arg5[%get3A_929] {strides = array<i32>} : memref<512xi32, #tpu.memory_space<vmem>>, vector<16xi32>,
        %slice3A_931 = vector.extract_strided_slice %get3A_930 {offsets = [1], sizes = [1], strides = [1]} : vector<16xi32> to vector<1xi32>
        %squeeze3A_932 = vector.extract %slice3A_931[0] : i32 from vector<1xi32>
        %and3A_933 = arith.constant -128 : i32
        %and3A_934 = arith.andi %squeeze3A_932, %and3A_933 : i32
        %multiple_of3A_935 = tpu.assume_multiple %and3A_934, 128 : i32
        %dma_start3A_936 = arith.constant 0 : i32
        %dma_start3A_937 = tpu.memref_slice %arg3[%dma_start3A_936, %multiple_of3A_935] : memref<64x1000000xf32, #tpu.memory_space<hbm>> -> memref<64x128xf32, #tpu.memory_space<hbm>>
        %dma_start3A_938 = arith.constant 0 : i32
        %dma_start3A_939 = tpu.memref_slice %arg3[%dma_start3A_938, %multiple_of3A_935] : memref<64x1000000xf32, #tpu.memory_space<hbm>> -> memref<64x128xf32, #tpu.memory_space<hbm>>
        tpu.enqueue_dma source(%dma_start3A_939 : memref<64x128xf32, #tpu.memory_space<hbm>>) target(%arg7 : memref<64x128xf32, #tpu.memory_space<vmem>>) target_semaphore(%arg17 : memref<!tpu.dma_semaphore, #tpu.memory_space<semaphore_mem>>)
      } else {
      }
      %dma_wait3A_624 = arith.constant 0 : i32
      %dma_wait3A_625 = arith.constant 0 : i32
      %dma_wait3A_626 = tpu.memref_slice %arg3[%dma_wait3A_624, %dma_wait3A_625] : memref<64x1000000xf32, #tpu.memory_space<hbm>> -> memref<64x128xf32, #tpu.memory_space<hbm>>
      %dma_wait3A_627 = arith.constant 0 : i32
      %dma_wait3A_628 = arith.constant 0 : i32
      %dma_wait3A_629 = tpu.memref_slice %arg3[%dma_wait3A_627, %dma_wait3A_628] : memref<64x1000000xf32, #tpu.memory_space<hbm>> -> memref<64x128xf32, #tpu.memory_space<hbm>>
      tpu.wait_dma2 semaphore(%arg18 : memref<!tpu.dma_semaphore, #tpu.memory_space<semaphore_mem>>) src(%dma_wait3A_629 : memref<64x128xf32, #tpu.memory_space<hbm>>) dst(%arg8 : memref<64x128xf32, #tpu.memory_space<vmem>>)
      %add3A_630 = arith.constant 10 : i32
      %add3A_631 = arith.addi %mul3A_76, %add3A_630 : i32
      %slice3A_632 = vector.extract_strided_slice %get3A_74 {offsets = [10], sizes = [1], strides = [1]} : vector<16xi32> to vector<1xi32>
      %squeeze3A_633 = vector.extract %slice3A_632[0] : i32 from vector<1xi32>
      %and3A_634 = arith.constant 127 : i32
      %and3A_635 = arith.andi %squeeze3A_633, %and3A_634 : i32
      %add3A_636 = vector.broadcast %and3A_635 : i32 to vector<16xi32>
      %add3A_637 = arith.addi %broadcast_in_dim3A_5, %add3A_636 : vector<16xi32>
      %add3A_638 = arith.constant 0 : i32
      %add3A_639 = arith.addi %add3A_631, %add3A_638 : i32
      %add3A_640 = vector.broadcast %add3A_639 : i32 to vector<16xi32>
      %add3A_641 = arith.addi %broadcast_in_dim3A_5, %add3A_640 : vector<16xi32>
      %add3A_642 = arith.constant 0 : i32
      %add3A_643 = vector.broadcast %add3A_642 : i32 to vector<16xi32>
      %add3A_644 = arith.addi %add3A_643, %iota3A : vector<16xi32>
      %gather3A_645 = tpu.vector_load_idx %arg8[%add3A_644, %add3A_637] : memref<64x128xf32, #tpu.memory_space<vmem>>[vector<16xi32>, vector<16xi32>], vector<16xf32>,
      %add3A_646 = arith.constant 0 : i32
      %add3A_647 = vector.broadcast %add3A_646 : i32 to vector<16xi32>
      %add3A_648 = arith.addi %add3A_647, %iota3A : vector<16xi32>
      tpu.vector_store_idx %arg14[%add3A_648, %add3A_641], %gather3A_645 : memref<64x512xf32, #tpu.memory_space<vmem>>[vector<16xi32>, vector<16xi32>], vector<16xf32>,
      %add3A_649 = arith.constant 16 : i32
      %add3A_650 = vector.broadcast %add3A_649 : i32 to vector<16xi32>
      %add3A_651 = arith.addi %add3A_650, %iota3A : vector<16xi32>
      %gather3A_652 = tpu.vector_load_idx %arg8[%add3A_651, %add3A_637] : memref<64x128xf32, #tpu.memory_space<vmem>>[vector<16xi32>, vector<16xi32>], vector<16xf32>,
      %add3A_653 = arith.constant 16 : i32
      %add3A_654 = vector.broadcast %add3A_653 : i32 to vector<16xi32>
      %add3A_655 = arith.addi %add3A_654, %iota3A : vector<16xi32>
      tpu.vector_store_idx %arg14[%add3A_655, %add3A_641], %gather3A_652 : memref<64x512xf32, #tpu.memory_space<vmem>>[vector<16xi32>, vector<16xi32>], vector<16xf32>,
      %add3A_656 = arith.constant 32 : i32
      %add3A_657 = vector.broadcast %add3A_656 : i32 to vector<16xi32>
      %add3A_658 = arith.addi %add3A_657, %iota3A : vector<16xi32>
      %gather3A_659 = tpu.vector_load_idx %arg8[%add3A_658, %add3A_637] : memref<64x128xf32, #tpu.memory_space<vmem>>[vector<16xi32>, vector<16xi32>], vector<16xf32>,
      %add3A_660 = arith.constant 32 : i32
      %add3A_661 = vector.broadcast %add3A_660 : i32 to vector<16xi32>
      %add3A_662 = arith.addi %add3A_661, %iota3A : vector<16xi32>
      tpu.vector_store_idx %arg14[%add3A_662, %add3A_641], %gather3A_659 : memref<64x512xf32, #tpu.memory_space<vmem>>[vector<16xi32>, vector<16xi32>], vector<16xf32>,
      %add3A_663 = arith.constant 48 : i32
      %add3A_664 = vector.broadcast %add3A_663 : i32 to vector<16xi32>
      %add3A_665 = arith.addi %add3A_664, %iota3A : vector<16xi32>
      %gather3A_666 = tpu.vector_load_idx %arg8[%add3A_665, %add3A_637] : memref<64x128xf32, #tpu.memory_space<vmem>>[vector<16xi32>, vector<16xi32>], vector<16xf32>,
      %add3A_667 = arith.constant 48 : i32
      %add3A_668 = vector.broadcast %add3A_667 : i32 to vector<16xi32>
      %add3A_669 = arith.addi %add3A_668, %iota3A : vector<16xi32>
      tpu.vector_store_idx %arg14[%add3A_669, %add3A_641], %gather3A_666 : memref<64x512xf32, #tpu.memory_space<vmem>>[vector<16xi32>, vector<16xi32>], vector<16xf32>,
      %lt3A_670 = arith.constant 31 : i32
      %lt3A_671 = arith.cmpi slt, %scan3A_70, %lt3A_670 : i32
      %convert_element_type3A_672 = arith.extui %lt3A_671 : i1 to i32
      %cond3A_673 = arith.constant 0 : i32
      %cond3A_674 = arith.cmpi ne, %convert_element_type3A_672, %cond3A_673 : i32
      scf.if %cond3A_674 {
        %add3A_925 = arith.constant 1 : i32
        %add3A_926 = arith.addi %scan3A_70, %add3A_925 : i32
        %mul3A_927 = arith.constant 16 : i32
        %mul3A_928 = arith.muli %add3A_926, %mul3A_927 : i32
        %get3A_929 = arith.index_cast %mul3A_928 : i32 to index
        %get3A_930 = tpu.vector_load %arg5[%get3A_929] {strides = array<i32>} : memref<512xi32, #tpu.memory_space<vmem>>, vector<16xi32>,
        %slice3A_931 = vector.extract_strided_slice %get3A_930 {offsets = [2], sizes = [1], strides = [1]} : vector<16xi32> to vector<1xi32>
        %squeeze3A_932 = vector.extract %slice3A_931[0] : i32 from vector<1xi32>
        %and3A_933 = arith.constant -128 : i32
        %and3A_934 = arith.andi %squeeze3A_932, %and3A_933 : i32
        %multiple_of3A_935 = tpu.assume_multiple %and3A_934, 128 : i32
        %dma_start3A_936 = arith.constant 0 : i32
        %dma_start3A_937 = tpu.memref_slice %arg3[%dma_start3A_936, %multiple_of3A_935] : memref<64x1000000xf32, #tpu.memory_space<hbm>> -> memref<64x128xf32, #tpu.memory_space<hbm>>
        %dma_start3A_938 = arith.constant 0 : i32
        %dma_start3A_939 = tpu.memref_slice %arg3[%dma_start3A_938, %multiple_of3A_935] : memref<64x1000000xf32, #tpu.memory_space<hbm>> -> memref<64x128xf32, #tpu.memory_space<hbm>>
        tpu.enqueue_dma source(%dma_start3A_939 : memref<64x128xf32, #tpu.memory_space<hbm>>) target(%arg8 : memref<64x128xf32, #tpu.memory_space<vmem>>) target_semaphore(%arg18 : memref<!tpu.dma_semaphore, #tpu.memory_space<semaphore_mem>>)
      } else {
      }
      %dma_wait3A_675 = arith.constant 0 : i32
      %dma_wait3A_676 = arith.constant 0 : i32
      %dma_wait3A_677 = tpu.memref_slice %arg3[%dma_wait3A_675, %dma_wait3A_676] : memref<64x1000000xf32, #tpu.memory_space<hbm>> -> memref<64x128xf32, #tpu.memory_space<hbm>>
      %dma_wait3A_678 = arith.constant 0 : i32
      %dma_wait3A_679 = arith.constant 0 : i32
      %dma_wait3A_680 = tpu.memref_slice %arg3[%dma_wait3A_678, %dma_wait3A_679] : memref<64x1000000xf32, #tpu.memory_space<hbm>> -> memref<64x128xf32, #tpu.memory_space<hbm>>
      tpu.wait_dma2 semaphore(%arg19 : memref<!tpu.dma_semaphore, #tpu.memory_space<semaphore_mem>>) src(%dma_wait3A_680 : memref<64x128xf32, #tpu.memory_space<hbm>>) dst(%arg9 : memref<64x128xf32, #tpu.memory_space<vmem>>)
      %add3A_681 = arith.constant 11 : i32
      %add3A_682 = arith.addi %mul3A_76, %add3A_681 : i32
      %slice3A_683 = vector.extract_strided_slice %get3A_74 {offsets = [11], sizes = [1], strides = [1]} : vector<16xi32> to vector<1xi32>
      %squeeze3A_684 = vector.extract %slice3A_683[0] : i32 from vector<1xi32>
      %and3A_685 = arith.constant 127 : i32
      %and3A_686 = arith.andi %squeeze3A_684, %and3A_685 : i32
      %add3A_687 = vector.broadcast %and3A_686 : i32 to vector<16xi32>
      %add3A_688 = arith.addi %broadcast_in_dim3A_5, %add3A_687 : vector<16xi32>
      %add3A_689 = arith.constant 0 : i32
      %add3A_690 = arith.addi %add3A_682, %add3A_689 : i32
      %add3A_691 = vector.broadcast %add3A_690 : i32 to vector<16xi32>
      %add3A_692 = arith.addi %broadcast_in_dim3A_5, %add3A_691 : vector<16xi32>
      %add3A_693 = arith.constant 0 : i32
      %add3A_694 = vector.broadcast %add3A_693 : i32 to vector<16xi32>
      %add3A_695 = arith.addi %add3A_694, %iota3A : vector<16xi32>
      %gather3A_696 = tpu.vector_load_idx %arg9[%add3A_695, %add3A_688] : memref<64x128xf32, #tpu.memory_space<vmem>>[vector<16xi32>, vector<16xi32>], vector<16xf32>,
      %add3A_697 = arith.constant 0 : i32
      %add3A_698 = vector.broadcast %add3A_697 : i32 to vector<16xi32>
      %add3A_699 = arith.addi %add3A_698, %iota3A : vector<16xi32>
      tpu.vector_store_idx %arg14[%add3A_699, %add3A_692], %gather3A_696 : memref<64x512xf32, #tpu.memory_space<vmem>>[vector<16xi32>, vector<16xi32>], vector<16xf32>,
      %add3A_700 = arith.constant 16 : i32
      %add3A_701 = vector.broadcast %add3A_700 : i32 to vector<16xi32>
      %add3A_702 = arith.addi %add3A_701, %iota3A : vector<16xi32>
      %gather3A_703 = tpu.vector_load_idx %arg9[%add3A_702, %add3A_688] : memref<64x128xf32, #tpu.memory_space<vmem>>[vector<16xi32>, vector<16xi32>], vector<16xf32>,
      %add3A_704 = arith.constant 16 : i32
      %add3A_705 = vector.broadcast %add3A_704 : i32 to vector<16xi32>
      %add3A_706 = arith.addi %add3A_705, %iota3A : vector<16xi32>
      tpu.vector_store_idx %arg14[%add3A_706, %add3A_692], %gather3A_703 : memref<64x512xf32, #tpu.memory_space<vmem>>[vector<16xi32>, vector<16xi32>], vector<16xf32>,
      %add3A_707 = arith.constant 32 : i32
      %add3A_708 = vector.broadcast %add3A_707 : i32 to vector<16xi32>
      %add3A_709 = arith.addi %add3A_708, %iota3A : vector<16xi32>
      %gather3A_710 = tpu.vector_load_idx %arg9[%add3A_709, %add3A_688] : memref<64x128xf32, #tpu.memory_space<vmem>>[vector<16xi32>, vector<16xi32>], vector<16xf32>,
      %add3A_711 = arith.constant 32 : i32
      %add3A_712 = vector.broadcast %add3A_711 : i32 to vector<16xi32>
      %add3A_713 = arith.addi %add3A_712, %iota3A : vector<16xi32>
      tpu.vector_store_idx %arg14[%add3A_713, %add3A_692], %gather3A_710 : memref<64x512xf32, #tpu.memory_space<vmem>>[vector<16xi32>, vector<16xi32>], vector<16xf32>,
      %add3A_714 = arith.constant 48 : i32
      %add3A_715 = vector.broadcast %add3A_714 : i32 to vector<16xi32>
      %add3A_716 = arith.addi %add3A_715, %iota3A : vector<16xi32>
      %gather3A_717 = tpu.vector_load_idx %arg9[%add3A_716, %add3A_688] : memref<64x128xf32, #tpu.memory_space<vmem>>[vector<16xi32>, vector<16xi32>], vector<16xf32>,
      %add3A_718 = arith.constant 48 : i32
      %add3A_719 = vector.broadcast %add3A_718 : i32 to vector<16xi32>
      %add3A_720 = arith.addi %add3A_719, %iota3A : vector<16xi32>
      tpu.vector_store_idx %arg14[%add3A_720, %add3A_692], %gather3A_717 : memref<64x512xf32, #tpu.memory_space<vmem>>[vector<16xi32>, vector<16xi32>], vector<16xf32>,
      %lt3A_721 = arith.constant 31 : i32
      %lt3A_722 = arith.cmpi slt, %scan3A_70, %lt3A_721 : i32
      %convert_element_type3A_723 = arith.extui %lt3A_722 : i1 to i32
      %cond3A_724 = arith.constant 0 : i32
      %cond3A_725 = arith.cmpi ne, %convert_element_type3A_723, %cond3A_724 : i32
      scf.if %cond3A_725 {
        %add3A_925 = arith.constant 1 : i32
        %add3A_926 = arith.addi %scan3A_70, %add3A_925 : i32
        %mul3A_927 = arith.constant 16 : i32
        %mul3A_928 = arith.muli %add3A_926, %mul3A_927 : i32
        %get3A_929 = arith.index_cast %mul3A_928 : i32 to index
        %get3A_930 = tpu.vector_load %arg5[%get3A_929] {strides = array<i32>} : memref<512xi32, #tpu.memory_space<vmem>>, vector<16xi32>,
        %slice3A_931 = vector.extract_strided_slice %get3A_930 {offsets = [3], sizes = [1], strides = [1]} : vector<16xi32> to vector<1xi32>
        %squeeze3A_932 = vector.extract %slice3A_931[0] : i32 from vector<1xi32>
        %and3A_933 = arith.constant -128 : i32
        %and3A_934 = arith.andi %squeeze3A_932, %and3A_933 : i32
        %multiple_of3A_935 = tpu.assume_multiple %and3A_934, 128 : i32
        %dma_start3A_936 = arith.constant 0 : i32
        %dma_start3A_937 = tpu.memref_slice %arg3[%dma_start3A_936, %multiple_of3A_935] : memref<64x1000000xf32, #tpu.memory_space<hbm>> -> memref<64x128xf32, #tpu.memory_space<hbm>>
        %dma_start3A_938 = arith.constant 0 : i32
        %dma_start3A_939 = tpu.memref_slice %arg3[%dma_start3A_938, %multiple_of3A_935] : memref<64x1000000xf32, #tpu.memory_space<hbm>> -> memref<64x128xf32, #tpu.memory_space<hbm>>
        tpu.enqueue_dma source(%dma_start3A_939 : memref<64x128xf32, #tpu.memory_space<hbm>>) target(%arg9 : memref<64x128xf32, #tpu.memory_space<vmem>>) target_semaphore(%arg19 : memref<!tpu.dma_semaphore, #tpu.memory_space<semaphore_mem>>)
      } else {
      }
      %dma_wait3A_726 = arith.constant 0 : i32
      %dma_wait3A_727 = arith.constant 0 : i32
      %dma_wait3A_728 = tpu.memref_slice %arg3[%dma_wait3A_726, %dma_wait3A_727] : memref<64x1000000xf32, #tpu.memory_space<hbm>> -> memref<64x128xf32, #tpu.memory_space<hbm>>
      %dma_wait3A_729 = arith.constant 0 : i32
      %dma_wait3A_730 = arith.constant 0 : i32
      %dma_wait3A_731 = tpu.memref_slice %arg3[%dma_wait3A_729, %dma_wait3A_730] : memref<64x1000000xf32, #tpu.memory_space<hbm>> -> memref<64x128xf32, #tpu.memory_space<hbm>>
      tpu.wait_dma2 semaphore(%arg20 : memref<!tpu.dma_semaphore, #tpu.memory_space<semaphore_mem>>) src(%dma_wait3A_731 : memref<64x128xf32, #tpu.memory_space<hbm>>) dst(%arg10 : memref<64x128xf32, #tpu.memory_space<vmem>>)
      %add3A_732 = arith.constant 12 : i32
      %add3A_733 = arith.addi %mul3A_76, %add3A_732 : i32
      %slice3A_734 = vector.extract_strided_slice %get3A_74 {offsets = [12], sizes = [1], strides = [1]} : vector<16xi32> to vector<1xi32>
      %squeeze3A_735 = vector.extract %slice3A_734[0] : i32 from vector<1xi32>
      %and3A_736 = arith.constant 127 : i32
      %and3A_737 = arith.andi %squeeze3A_735, %and3A_736 : i32
      %add3A_738 = vector.broadcast %and3A_737 : i32 to vector<16xi32>
      %add3A_739 = arith.addi %broadcast_in_dim3A_5, %add3A_738 : vector<16xi32>
      %add3A_740 = arith.constant 0 : i32
      %add3A_741 = arith.addi %add3A_733, %add3A_740 : i32
      %add3A_742 = vector.broadcast %add3A_741 : i32 to vector<16xi32>
      %add3A_743 = arith.addi %broadcast_in_dim3A_5, %add3A_742 : vector<16xi32>
      %add3A_744 = arith.constant 0 : i32
      %add3A_745 = vector.broadcast %add3A_744 : i32 to vector<16xi32>
      %add3A_746 = arith.addi %add3A_745, %iota3A : vector<16xi32>
      %gather3A_747 = tpu.vector_load_idx %arg10[%add3A_746, %add3A_739] : memref<64x128xf32, #tpu.memory_space<vmem>>[vector<16xi32>, vector<16xi32>], vector<16xf32>,
      %add3A_748 = arith.constant 0 : i32
      %add3A_749 = vector.broadcast %add3A_748 : i32 to vector<16xi32>
      %add3A_750 = arith.addi %add3A_749, %iota3A : vector<16xi32>
      tpu.vector_store_idx %arg14[%add3A_750, %add3A_743], %gather3A_747 : memref<64x512xf32, #tpu.memory_space<vmem>>[vector<16xi32>, vector<16xi32>], vector<16xf32>,
      %add3A_751 = arith.constant 16 : i32
      %add3A_752 = vector.broadcast %add3A_751 : i32 to vector<16xi32>
      %add3A_753 = arith.addi %add3A_752, %iota3A : vector<16xi32>
      %gather3A_754 = tpu.vector_load_idx %arg10[%add3A_753, %add3A_739] : memref<64x128xf32, #tpu.memory_space<vmem>>[vector<16xi32>, vector<16xi32>], vector<16xf32>,
      %add3A_755 = arith.constant 16 : i32
      %add3A_756 = vector.broadcast %add3A_755 : i32 to vector<16xi32>
      %add3A_757 = arith.addi %add3A_756, %iota3A : vector<16xi32>
      tpu.vector_store_idx %arg14[%add3A_757, %add3A_743], %gather3A_754 : memref<64x512xf32, #tpu.memory_space<vmem>>[vector<16xi32>, vector<16xi32>], vector<16xf32>,
      %add3A_758 = arith.constant 32 : i32
      %add3A_759 = vector.broadcast %add3A_758 : i32 to vector<16xi32>
      %add3A_760 = arith.addi %add3A_759, %iota3A : vector<16xi32>
      %gather3A_761 = tpu.vector_load_idx %arg10[%add3A_760, %add3A_739] : memref<64x128xf32, #tpu.memory_space<vmem>>[vector<16xi32>, vector<16xi32>], vector<16xf32>,
      %add3A_762 = arith.constant 32 : i32
      %add3A_763 = vector.broadcast %add3A_762 : i32 to vector<16xi32>
      %add3A_764 = arith.addi %add3A_763, %iota3A : vector<16xi32>
      tpu.vector_store_idx %arg14[%add3A_764, %add3A_743], %gather3A_761 : memref<64x512xf32, #tpu.memory_space<vmem>>[vector<16xi32>, vector<16xi32>], vector<16xf32>,
      %add3A_765 = arith.constant 48 : i32
      %add3A_766 = vector.broadcast %add3A_765 : i32 to vector<16xi32>
      %add3A_767 = arith.addi %add3A_766, %iota3A : vector<16xi32>
      %gather3A_768 = tpu.vector_load_idx %arg10[%add3A_767, %add3A_739] : memref<64x128xf32, #tpu.memory_space<vmem>>[vector<16xi32>, vector<16xi32>], vector<16xf32>,
      %add3A_769 = arith.constant 48 : i32
      %add3A_770 = vector.broadcast %add3A_769 : i32 to vector<16xi32>
      %add3A_771 = arith.addi %add3A_770, %iota3A : vector<16xi32>
      tpu.vector_store_idx %arg14[%add3A_771, %add3A_743], %gather3A_768 : memref<64x512xf32, #tpu.memory_space<vmem>>[vector<16xi32>, vector<16xi32>], vector<16xf32>,
      %lt3A_772 = arith.constant 31 : i32
      %lt3A_773 = arith.cmpi slt, %scan3A_70, %lt3A_772 : i32
      %convert_element_type3A_774 = arith.extui %lt3A_773 : i1 to i32
      %cond3A_775 = arith.constant 0 : i32
      %cond3A_776 = arith.cmpi ne, %convert_element_type3A_774, %cond3A_775 : i32
      scf.if %cond3A_776 {
        %add3A_925 = arith.constant 1 : i32
        %add3A_926 = arith.addi %scan3A_70, %add3A_925 : i32
        %mul3A_927 = arith.constant 16 : i32
        %mul3A_928 = arith.muli %add3A_926, %mul3A_927 : i32
        %get3A_929 = arith.index_cast %mul3A_928 : i32 to index
        %get3A_930 = tpu.vector_load %arg5[%get3A_929] {strides = array<i32>} : memref<512xi32, #tpu.memory_space<vmem>>, vector<16xi32>,
        %slice3A_931 = vector.extract_strided_slice %get3A_930 {offsets = [4], sizes = [1], strides = [1]} : vector<16xi32> to vector<1xi32>
        %squeeze3A_932 = vector.extract %slice3A_931[0] : i32 from vector<1xi32>
        %and3A_933 = arith.constant -128 : i32
        %and3A_934 = arith.andi %squeeze3A_932, %and3A_933 : i32
        %multiple_of3A_935 = tpu.assume_multiple %and3A_934, 128 : i32
        %dma_start3A_936 = arith.constant 0 : i32
        %dma_start3A_937 = tpu.memref_slice %arg3[%dma_start3A_936, %multiple_of3A_935] : memref<64x1000000xf32, #tpu.memory_space<hbm>> -> memref<64x128xf32, #tpu.memory_space<hbm>>
        %dma_start3A_938 = arith.constant 0 : i32
        %dma_start3A_939 = tpu.memref_slice %arg3[%dma_start3A_938, %multiple_of3A_935] : memref<64x1000000xf32, #tpu.memory_space<hbm>> -> memref<64x128xf32, #tpu.memory_space<hbm>>
        tpu.enqueue_dma source(%dma_start3A_939 : memref<64x128xf32, #tpu.memory_space<hbm>>) target(%arg10 : memref<64x128xf32, #tpu.memory_space<vmem>>) target_semaphore(%arg20 : memref<!tpu.dma_semaphore, #tpu.memory_space<semaphore_mem>>)
      } else {
      }
      %dma_wait3A_777 = arith.constant 0 : i32
      %dma_wait3A_778 = arith.constant 0 : i32
      %dma_wait3A_779 = tpu.memref_slice %arg3[%dma_wait3A_777, %dma_wait3A_778] : memref<64x1000000xf32, #tpu.memory_space<hbm>> -> memref<64x128xf32, #tpu.memory_space<hbm>>
      %dma_wait3A_780 = arith.constant 0 : i32
      %dma_wait3A_781 = arith.constant 0 : i32
      %dma_wait3A_782 = tpu.memref_slice %arg3[%dma_wait3A_780, %dma_wait3A_781] : memref<64x1000000xf32, #tpu.memory_space<hbm>> -> memref<64x128xf32, #tpu.memory_space<hbm>>
      tpu.wait_dma2 semaphore(%arg21 : memref<!tpu.dma_semaphore, #tpu.memory_space<semaphore_mem>>) src(%dma_wait3A_782 : memref<64x128xf32, #tpu.memory_space<hbm>>) dst(%arg11 : memref<64x128xf32, #tpu.memory_space<vmem>>)
      %add3A_783 = arith.constant 13 : i32
      %add3A_784 = arith.addi %mul3A_76, %add3A_783 : i32
      %slice3A_785 = vector.extract_strided_slice %get3A_74 {offsets = [13], sizes = [1], strides = [1]} : vector<16xi32> to vector<1xi32>
      %squeeze3A_786 = vector.extract %slice3A_785[0] : i32 from vector<1xi32>
      %and3A_787 = arith.constant 127 : i32
      %and3A_788 = arith.andi %squeeze3A_786, %and3A_787 : i32
      %add3A_789 = vector.broadcast %and3A_788 : i32 to vector<16xi32>
      %add3A_790 = arith.addi %broadcast_in_dim3A_5, %add3A_789 : vector<16xi32>
      %add3A_791 = arith.constant 0 : i32
      %add3A_792 = arith.addi %add3A_784, %add3A_791 : i32
      %add3A_793 = vector.broadcast %add3A_792 : i32 to vector<16xi32>
      %add3A_794 = arith.addi %broadcast_in_dim3A_5, %add3A_793 : vector<16xi32>
      %add3A_795 = arith.constant 0 : i32
      %add3A_796 = vector.broadcast %add3A_795 : i32 to vector<16xi32>
      %add3A_797 = arith.addi %add3A_796, %iota3A : vector<16xi32>
      %gather3A_798 = tpu.vector_load_idx %arg11[%add3A_797, %add3A_790] : memref<64x128xf32, #tpu.memory_space<vmem>>[vector<16xi32>, vector<16xi32>], vector<16xf32>,
      %add3A_799 = arith.constant 0 : i32
      %add3A_800 = vector.broadcast %add3A_799 : i32 to vector<16xi32>
      %add3A_801 = arith.addi %add3A_800, %iota3A : vector<16xi32>
      tpu.vector_store_idx %arg14[%add3A_801, %add3A_794], %gather3A_798 : memref<64x512xf32, #tpu.memory_space<vmem>>[vector<16xi32>, vector<16xi32>], vector<16xf32>,
      %add3A_802 = arith.constant 16 : i32
      %add3A_803 = vector.broadcast %add3A_802 : i32 to vector<16xi32>
      %add3A_804 = arith.addi %add3A_803, %iota3A : vector<16xi32>
      %gather3A_805 = tpu.vector_load_idx %arg11[%add3A_804, %add3A_790] : memref<64x128xf32, #tpu.memory_space<vmem>>[vector<16xi32>, vector<16xi32>], vector<16xf32>,
      %add3A_806 = arith.constant 16 : i32
      %add3A_807 = vector.broadcast %add3A_806 : i32 to vector<16xi32>
      %add3A_808 = arith.addi %add3A_807, %iota3A : vector<16xi32>
      tpu.vector_store_idx %arg14[%add3A_808, %add3A_794], %gather3A_805 : memref<64x512xf32, #tpu.memory_space<vmem>>[vector<16xi32>, vector<16xi32>], vector<16xf32>,
      %add3A_809 = arith.constant 32 : i32
      %add3A_810 = vector.broadcast %add3A_809 : i32 to vector<16xi32>
      %add3A_811 = arith.addi %add3A_810, %iota3A : vector<16xi32>
      %gather3A_812 = tpu.vector_load_idx %arg11[%add3A_811, %add3A_790] : memref<64x128xf32, #tpu.memory_space<vmem>>[vector<16xi32>, vector<16xi32>], vector<16xf32>,
      %add3A_813 = arith.constant 32 : i32
      %add3A_814 = vector.broadcast %add3A_813 : i32 to vector<16xi32>
      %add3A_815 = arith.addi %add3A_814, %iota3A : vector<16xi32>
      tpu.vector_store_idx %arg14[%add3A_815, %add3A_794], %gather3A_812 : memref<64x512xf32, #tpu.memory_space<vmem>>[vector<16xi32>, vector<16xi32>], vector<16xf32>,
      %add3A_816 = arith.constant 48 : i32
      %add3A_817 = vector.broadcast %add3A_816 : i32 to vector<16xi32>
      %add3A_818 = arith.addi %add3A_817, %iota3A : vector<16xi32>
      %gather3A_819 = tpu.vector_load_idx %arg11[%add3A_818, %add3A_790] : memref<64x128xf32, #tpu.memory_space<vmem>>[vector<16xi32>, vector<16xi32>], vector<16xf32>,
      %add3A_820 = arith.constant 48 : i32
      %add3A_821 = vector.broadcast %add3A_820 : i32 to vector<16xi32>
      %add3A_822 = arith.addi %add3A_821, %iota3A : vector<16xi32>
      tpu.vector_store_idx %arg14[%add3A_822, %add3A_794], %gather3A_819 : memref<64x512xf32, #tpu.memory_space<vmem>>[vector<16xi32>, vector<16xi32>], vector<16xf32>,
      %lt3A_823 = arith.constant 31 : i32
      %lt3A_824 = arith.cmpi slt, %scan3A_70, %lt3A_823 : i32
      %convert_element_type3A_825 = arith.extui %lt3A_824 : i1 to i32
      %cond3A_826 = arith.constant 0 : i32
      %cond3A_827 = arith.cmpi ne, %convert_element_type3A_825, %cond3A_826 : i32
      scf.if %cond3A_827 {
        %add3A_925 = arith.constant 1 : i32
        %add3A_926 = arith.addi %scan3A_70, %add3A_925 : i32
        %mul3A_927 = arith.constant 16 : i32
        %mul3A_928 = arith.muli %add3A_926, %mul3A_927 : i32
        %get3A_929 = arith.index_cast %mul3A_928 : i32 to index
        %get3A_930 = tpu.vector_load %arg5[%get3A_929] {strides = array<i32>} : memref<512xi32, #tpu.memory_space<vmem>>, vector<16xi32>,
        %slice3A_931 = vector.extract_strided_slice %get3A_930 {offsets = [5], sizes = [1], strides = [1]} : vector<16xi32> to vector<1xi32>
        %squeeze3A_932 = vector.extract %slice3A_931[0] : i32 from vector<1xi32>
        %and3A_933 = arith.constant -128 : i32
        %and3A_934 = arith.andi %squeeze3A_932, %and3A_933 : i32
        %multiple_of3A_935 = tpu.assume_multiple %and3A_934, 128 : i32
        %dma_start3A_936 = arith.constant 0 : i32
        %dma_start3A_937 = tpu.memref_slice %arg3[%dma_start3A_936, %multiple_of3A_935] : memref<64x1000000xf32, #tpu.memory_space<hbm>> -> memref<64x128xf32, #tpu.memory_space<hbm>>
        %dma_start3A_938 = arith.constant 0 : i32
        %dma_start3A_939 = tpu.memref_slice %arg3[%dma_start3A_938, %multiple_of3A_935] : memref<64x1000000xf32, #tpu.memory_space<hbm>> -> memref<64x128xf32, #tpu.memory_space<hbm>>
        tpu.enqueue_dma source(%dma_start3A_939 : memref<64x128xf32, #tpu.memory_space<hbm>>) target(%arg11 : memref<64x128xf32, #tpu.memory_space<vmem>>) target_semaphore(%arg21 : memref<!tpu.dma_semaphore, #tpu.memory_space<semaphore_mem>>)
      } else {
      }
      %dma_wait3A_828 = arith.constant 0 : i32
      %dma_wait3A_829 = arith.constant 0 : i32
      %dma_wait3A_830 = tpu.memref_slice %arg3[%dma_wait3A_828, %dma_wait3A_829] : memref<64x1000000xf32, #tpu.memory_space<hbm>> -> memref<64x128xf32, #tpu.memory_space<hbm>>
      %dma_wait3A_831 = arith.constant 0 : i32
      %dma_wait3A_832 = arith.constant 0 : i32
      %dma_wait3A_833 = tpu.memref_slice %arg3[%dma_wait3A_831, %dma_wait3A_832] : memref<64x1000000xf32, #tpu.memory_space<hbm>> -> memref<64x128xf32, #tpu.memory_space<hbm>>
      tpu.wait_dma2 semaphore(%arg22 : memref<!tpu.dma_semaphore, #tpu.memory_space<semaphore_mem>>) src(%dma_wait3A_833 : memref<64x128xf32, #tpu.memory_space<hbm>>) dst(%arg12 : memref<64x128xf32, #tpu.memory_space<vmem>>)
      %add3A_834 = arith.constant 14 : i32
      %add3A_835 = arith.addi %mul3A_76, %add3A_834 : i32
      %slice3A_836 = vector.extract_strided_slice %get3A_74 {offsets = [14], sizes = [1], strides = [1]} : vector<16xi32> to vector<1xi32>
      %squeeze3A_837 = vector.extract %slice3A_836[0] : i32 from vector<1xi32>
      %and3A_838 = arith.constant 127 : i32
      %and3A_839 = arith.andi %squeeze3A_837, %and3A_838 : i32
      %add3A_840 = vector.broadcast %and3A_839 : i32 to vector<16xi32>
      %add3A_841 = arith.addi %broadcast_in_dim3A_5, %add3A_840 : vector<16xi32>
      %add3A_842 = arith.constant 0 : i32
      %add3A_843 = arith.addi %add3A_835, %add3A_842 : i32
      %add3A_844 = vector.broadcast %add3A_843 : i32 to vector<16xi32>
      %add3A_845 = arith.addi %broadcast_in_dim3A_5, %add3A_844 : vector<16xi32>
      %add3A_846 = arith.constant 0 : i32
      %add3A_847 = vector.broadcast %add3A_846 : i32 to vector<16xi32>
      %add3A_848 = arith.addi %add3A_847, %iota3A : vector<16xi32>
      %gather3A_849 = tpu.vector_load_idx %arg12[%add3A_848, %add3A_841] : memref<64x128xf32, #tpu.memory_space<vmem>>[vector<16xi32>, vector<16xi32>], vector<16xf32>,
      %add3A_850 = arith.constant 0 : i32
      %add3A_851 = vector.broadcast %add3A_850 : i32 to vector<16xi32>
      %add3A_852 = arith.addi %add3A_851, %iota3A : vector<16xi32>
      tpu.vector_store_idx %arg14[%add3A_852, %add3A_845], %gather3A_849 : memref<64x512xf32, #tpu.memory_space<vmem>>[vector<16xi32>, vector<16xi32>], vector<16xf32>,
      %add3A_853 = arith.constant 16 : i32
      %add3A_854 = vector.broadcast %add3A_853 : i32 to vector<16xi32>
      %add3A_855 = arith.addi %add3A_854, %iota3A : vector<16xi32>
      %gather3A_856 = tpu.vector_load_idx %arg12[%add3A_855, %add3A_841] : memref<64x128xf32, #tpu.memory_space<vmem>>[vector<16xi32>, vector<16xi32>], vector<16xf32>,
      %add3A_857 = arith.constant 16 : i32
      %add3A_858 = vector.broadcast %add3A_857 : i32 to vector<16xi32>
      %add3A_859 = arith.addi %add3A_858, %iota3A : vector<16xi32>
      tpu.vector_store_idx %arg14[%add3A_859, %add3A_845], %gather3A_856 : memref<64x512xf32, #tpu.memory_space<vmem>>[vector<16xi32>, vector<16xi32>], vector<16xf32>,
      %add3A_860 = arith.constant 32 : i32
      %add3A_861 = vector.broadcast %add3A_860 : i32 to vector<16xi32>
      %add3A_862 = arith.addi %add3A_861, %iota3A : vector<16xi32>
      %gather3A_863 = tpu.vector_load_idx %arg12[%add3A_862, %add3A_841] : memref<64x128xf32, #tpu.memory_space<vmem>>[vector<16xi32>, vector<16xi32>], vector<16xf32>,
      %add3A_864 = arith.constant 32 : i32
      %add3A_865 = vector.broadcast %add3A_864 : i32 to vector<16xi32>
      %add3A_866 = arith.addi %add3A_865, %iota3A : vector<16xi32>
      tpu.vector_store_idx %arg14[%add3A_866, %add3A_845], %gather3A_863 : memref<64x512xf32, #tpu.memory_space<vmem>>[vector<16xi32>, vector<16xi32>], vector<16xf32>,
      %add3A_867 = arith.constant 48 : i32
      %add3A_868 = vector.broadcast %add3A_867 : i32 to vector<16xi32>
      %add3A_869 = arith.addi %add3A_868, %iota3A : vector<16xi32>
      %gather3A_870 = tpu.vector_load_idx %arg12[%add3A_869, %add3A_841] : memref<64x128xf32, #tpu.memory_space<vmem>>[vector<16xi32>, vector<16xi32>], vector<16xf32>,
      %add3A_871 = arith.constant 48 : i32
      %add3A_872 = vector.broadcast %add3A_871 : i32 to vector<16xi32>
      %add3A_873 = arith.addi %add3A_872, %iota3A : vector<16xi32>
      tpu.vector_store_idx %arg14[%add3A_873, %add3A_845], %gather3A_870 : memref<64x512xf32, #tpu.memory_space<vmem>>[vector<16xi32>, vector<16xi32>], vector<16xf32>,
      %lt3A_874 = arith.constant 31 : i32
      %lt3A_875 = arith.cmpi slt, %scan3A_70, %lt3A_874 : i32
      %convert_element_type3A_876 = arith.extui %lt3A_875 : i1 to i32
      %cond3A_877 = arith.constant 0 : i32
      %cond3A_878 = arith.cmpi ne, %convert_element_type3A_876, %cond3A_877 : i32
      scf.if %cond3A_878 {
        %add3A_925 = arith.constant 1 : i32
        %add3A_926 = arith.addi %scan3A_70, %add3A_925 : i32
        %mul3A_927 = arith.constant 16 : i32
        %mul3A_928 = arith.muli %add3A_926, %mul3A_927 : i32
        %get3A_929 = arith.index_cast %mul3A_928 : i32 to index
        %get3A_930 = tpu.vector_load %arg5[%get3A_929] {strides = array<i32>} : memref<512xi32, #tpu.memory_space<vmem>>, vector<16xi32>,
        %slice3A_931 = vector.extract_strided_slice %get3A_930 {offsets = [6], sizes = [1], strides = [1]} : vector<16xi32> to vector<1xi32>
        %squeeze3A_932 = vector.extract %slice3A_931[0] : i32 from vector<1xi32>
        %and3A_933 = arith.constant -128 : i32
        %and3A_934 = arith.andi %squeeze3A_932, %and3A_933 : i32
        %multiple_of3A_935 = tpu.assume_multiple %and3A_934, 128 : i32
        %dma_start3A_936 = arith.constant 0 : i32
        %dma_start3A_937 = tpu.memref_slice %arg3[%dma_start3A_936, %multiple_of3A_935] : memref<64x1000000xf32, #tpu.memory_space<hbm>> -> memref<64x128xf32, #tpu.memory_space<hbm>>
        %dma_start3A_938 = arith.constant 0 : i32
        %dma_start3A_939 = tpu.memref_slice %arg3[%dma_start3A_938, %multiple_of3A_935] : memref<64x1000000xf32, #tpu.memory_space<hbm>> -> memref<64x128xf32, #tpu.memory_space<hbm>>
        tpu.enqueue_dma source(%dma_start3A_939 : memref<64x128xf32, #tpu.memory_space<hbm>>) target(%arg12 : memref<64x128xf32, #tpu.memory_space<vmem>>) target_semaphore(%arg22 : memref<!tpu.dma_semaphore, #tpu.memory_space<semaphore_mem>>)
      } else {
      }
      %dma_wait3A_879 = arith.constant 0 : i32
      %dma_wait3A_880 = arith.constant 0 : i32
      %dma_wait3A_881 = tpu.memref_slice %arg3[%dma_wait3A_879, %dma_wait3A_880] : memref<64x1000000xf32, #tpu.memory_space<hbm>> -> memref<64x128xf32, #tpu.memory_space<hbm>>
      %dma_wait3A_882 = arith.constant 0 : i32
      %dma_wait3A_883 = arith.constant 0 : i32
      %dma_wait3A_884 = tpu.memref_slice %arg3[%dma_wait3A_882, %dma_wait3A_883] : memref<64x1000000xf32, #tpu.memory_space<hbm>> -> memref<64x128xf32, #tpu.memory_space<hbm>>
      tpu.wait_dma2 semaphore(%arg23 : memref<!tpu.dma_semaphore, #tpu.memory_space<semaphore_mem>>) src(%dma_wait3A_884 : memref<64x128xf32, #tpu.memory_space<hbm>>) dst(%arg13 : memref<64x128xf32, #tpu.memory_space<vmem>>)
      %add3A_885 = arith.constant 15 : i32
      %add3A_886 = arith.addi %mul3A_76, %add3A_885 : i32
      %slice3A_887 = vector.extract_strided_slice %get3A_74 {offsets = [15], sizes = [1], strides = [1]} : vector<16xi32> to vector<1xi32>
      %squeeze3A_888 = vector.extract %slice3A_887[0] : i32 from vector<1xi32>
      %and3A_889 = arith.constant 127 : i32
      %and3A_890 = arith.andi %squeeze3A_888, %and3A_889 : i32
      %add3A_891 = vector.broadcast %and3A_890 : i32 to vector<16xi32>
      %add3A_892 = arith.addi %broadcast_in_dim3A_5, %add3A_891 : vector<16xi32>
      %add3A_893 = arith.constant 0 : i32
      %add3A_894 = arith.addi %add3A_886, %add3A_893 : i32
      %add3A_895 = vector.broadcast %add3A_894 : i32 to vector<16xi32>
      %add3A_896 = arith.addi %broadcast_in_dim3A_5, %add3A_895 : vector<16xi32>
      %add3A_897 = arith.constant 0 : i32
      %add3A_898 = vector.broadcast %add3A_897 : i32 to vector<16xi32>
      %add3A_899 = arith.addi %add3A_898, %iota3A : vector<16xi32>
      %gather3A_900 = tpu.vector_load_idx %arg13[%add3A_899, %add3A_892] : memref<64x128xf32, #tpu.memory_space<vmem>>[vector<16xi32>, vector<16xi32>], vector<16xf32>,
      %add3A_901 = arith.constant 0 : i32
      %add3A_902 = vector.broadcast %add3A_901 : i32 to vector<16xi32>
      %add3A_903 = arith.addi %add3A_902, %iota3A : vector<16xi32>
      tpu.vector_store_idx %arg14[%add3A_903, %add3A_896], %gather3A_900 : memref<64x512xf32, #tpu.memory_space<vmem>>[vector<16xi32>, vector<16xi32>], vector<16xf32>,
      %add3A_904 = arith.constant 16 : i32
      %add3A_905 = vector.broadcast %add3A_904 : i32 to vector<16xi32>
      %add3A_906 = arith.addi %add3A_905, %iota3A : vector<16xi32>
      %gather3A_907 = tpu.vector_load_idx %arg13[%add3A_906, %add3A_892] : memref<64x128xf32, #tpu.memory_space<vmem>>[vector<16xi32>, vector<16xi32>], vector<16xf32>,
      %add3A_908 = arith.constant 16 : i32
      %add3A_909 = vector.broadcast %add3A_908 : i32 to vector<16xi32>
      %add3A_910 = arith.addi %add3A_909, %iota3A : vector<16xi32>
      tpu.vector_store_idx %arg14[%add3A_910, %add3A_896], %gather3A_907 : memref<64x512xf32, #tpu.memory_space<vmem>>[vector<16xi32>, vector<16xi32>], vector<16xf32>,
      %add3A_911 = arith.constant 32 : i32
      %add3A_912 = vector.broadcast %add3A_911 : i32 to vector<16xi32>
      %add3A_913 = arith.addi %add3A_912, %iota3A : vector<16xi32>
      %gather3A_914 = tpu.vector_load_idx %arg13[%add3A_913, %add3A_892] : memref<64x128xf32, #tpu.memory_space<vmem>>[vector<16xi32>, vector<16xi32>], vector<16xf32>,
      %add3A_915 = arith.constant 32 : i32
      %add3A_916 = vector.broadcast %add3A_915 : i32 to vector<16xi32>
      %add3A_917 = arith.addi %add3A_916, %iota3A : vector<16xi32>
      tpu.vector_store_idx %arg14[%add3A_917, %add3A_896], %gather3A_914 : memref<64x512xf32, #tpu.memory_space<vmem>>[vector<16xi32>, vector<16xi32>], vector<16xf32>,
      %add3A_918 = arith.constant 48 : i32
      %add3A_919 = vector.broadcast %add3A_918 : i32 to vector<16xi32>
      %add3A_920 = arith.addi %add3A_919, %iota3A : vector<16xi32>
      %gather3A_921 = tpu.vector_load_idx %arg13[%add3A_920, %add3A_892] : memref<64x128xf32, #tpu.memory_space<vmem>>[vector<16xi32>, vector<16xi32>], vector<16xf32>,
      %add3A_922 = arith.constant 48 : i32
      %add3A_923 = vector.broadcast %add3A_922 : i32 to vector<16xi32>
      %add3A_924 = arith.addi %add3A_923, %iota3A : vector<16xi32>
      tpu.vector_store_idx %arg14[%add3A_924, %add3A_896], %gather3A_921 : memref<64x512xf32, #tpu.memory_space<vmem>>[vector<16xi32>, vector<16xi32>], vector<16xf32>,
    }
    %scan3A_69 = arith.constant 32 : i32
    "tpu.region"() ({
      %run_scoped3A = tpu.sem_alloc : memref<!tpu.dma_semaphore, #tpu.memory_space<semaphore_mem>>
      %dma_start3A_70 = arith.constant 0 : i32
      %dma_start3A_71 = tpu.memref_slice %arg4[%dma_start3A_70, %mul3A_2] : memref<64x16384xf32, #tpu.memory_space<hbm>> -> memref<64x512xf32, #tpu.memory_space<hbm>>
      %dma_start3A_72 = arith.constant 0 : i32
      %dma_start3A_73 = tpu.memref_slice %arg4[%dma_start3A_72, %mul3A_2] : memref<64x16384xf32, #tpu.memory_space<hbm>> -> memref<64x512xf32, #tpu.memory_space<hbm>>
      tpu.enqueue_dma source(%arg14 : memref<64x512xf32, #tpu.memory_space<vmem>>) target(%dma_start3A_73 : memref<64x512xf32, #tpu.memory_space<hbm>>) target_semaphore(%run_scoped3A : memref<!tpu.dma_semaphore, #tpu.memory_space<semaphore_mem>>)
      %dma_wait3A_74 = arith.constant 0 : i32
      %dma_wait3A_75 = tpu.memref_slice %arg4[%dma_wait3A_74, %mul3A_2] : memref<64x16384xf32, #tpu.memory_space<hbm>> -> memref<64x512xf32, #tpu.memory_space<hbm>>
      %dma_wait3A_76 = arith.constant 0 : i32
      %dma_wait3A_77 = tpu.memref_slice %arg4[%dma_wait3A_76, %mul3A_2] : memref<64x16384xf32, #tpu.memory_space<hbm>> -> memref<64x512xf32, #tpu.memory_space<hbm>>
      tpu.wait_dma2 semaphore(%run_scoped3A : memref<!tpu.dma_semaphore, #tpu.memory_space<semaphore_mem>>) src(%arg14 : memref<64x512xf32, #tpu.memory_space<vmem>>) dst(%dma_wait3A_77 : memref<64x512xf32, #tpu.memory_space<hbm>>)
      tpu.yield
    }) : () -> ()
    return
  }
}

</mosaic_0001>

<sc_bundles>
// kernel: kernel.3.cloned.1.call-start
scs
__scs_entry_jumppad:
0x0: {  	(pc) =	sbr.rel $0x88, $3  }
0x1: {  	(tag) =	ssettag $0x0;
	lr =	simm.s32 $0x1  }
0x2: {  	[smem:$0x3F9F] =	sst lr;
	_ =	strace $0xD0000000  }
0x3: {  	_ = 	snop  }
0x4: {  	_ = 	snop  }
0x5: {  	_ = 	snop  }
0x6: {  	_ = 	snop  }
0x7: {  	_ = 	snop  }
__scs_overlays_trampoline_lowered:
0x8: {  	[smem:$0x3FAE] =	sst s0  }
0x9: {  	[smem:$0x3FAF] =	sst s1  }
0xa: {  	[smem:$0x3FB0] =	sst s2  }
0xb: {  	[smem:$0x3FB1] =	sst s3  }
0xc: {  	[smem:$0x3FB2] =	sst s4  }
0xd: {  	[smem:$0x3FB3] =	sst s5  }
0xe: {  	[smem:$0x3FB4] =	sst s6  }
0xf: {  	[smem:$0x3FB5] =	sst s7  }
0x10: {  	[smem:$0x3FB6] =	sst s8  }
0x11: {  	[smem:$0x3FB7] =	sst s9;
	s0 =	simm.s32 @!p0 $0x0  }
0x12: {  	s1 =	sld [smem:$0x3F9D];
	s0 =	simm.s32 @p0 $0x1  }
0x13: {  	[smem:$0x3FB8] =	sst s0;
	s0 =	simm.s32 @!p1 $0x0  }
0x14: {  	s2 =	sld [smem:$0x3F9C];
	s0 =	simm.s32 @p1 $0x1  }
0x15: {  	[smem:$0x3FB9] =	sst s0;
	s0 =	simm.s32 @!p2 $0x0  }
0x16: {  	s3 =	sld [smem:$0x3FDB];
	s0 =	simm.s32 @p2 $0x1  }
0x17: {  	s4 =	simm.s32 $0x1BF5;
	[smem:$0x3FBB] =	sst s0  }
0x18: {  	s0 =	sld [smem:$0x3F9E];
	_ =	swait.ge [sflag:s4], $0x0  }
0x19: {  	s7 =	sld [smem:$0x3F9F]  }
0x1a: {  	s8 =	sadd.s32 $0xFFFFE003, lr  }
0x1b: {  	s9 =	sadd.s32 $0xFFFFFEF7, lr;
	s5 =	simm.s32 $0xFFFFFFFF;
	p2 =	slt.u32 s8, $0xFFFFF086  }
0x1c: {  	p1 =	slt.u32 s9, $0xF7A;
	s5 =	simm.s32 @!p2 $0x0  }
0x1d: {  	s5 =	simm.s32 @p1 $0x1;
	p0 =	seq.s32 s7, s2  }
0x1e: {  	s7 =	smul.u32 @!p0 $0xF7A, s2;
	p2 =	seq.s32 @!p0 s5, $0x0  }
0x1f: {  	s9 =	smul.u32 $0xF7A, s1;
	s8 =	simm.s32 @!p0 $0x1BF5;
	p2 =	por !p2, p0  }
0x20: {  	[sflag:s8] =	ssyncset.s32 @!p0 $0xFFFFF086;
	s6 =	sadd.s32 @!p0 s3, s7;
	s7 =	simm.s32 @!p0 $0x108  }
0x21: {  	s3 =	sadd.s32 s3, s9;
	s6 =	sadd.s32 @!p0 $0x88, s6;
	s7 =	simm.s32 @p2 $0x1082  }
0x22: {  	[simem:s7], [sflag:s8] =	dma.local @!p0 [hbm:s6], $0xF7A  }
0x23: {  	s9 =	sor.u32 $0xD0000000, s2;
	s6 =	simm.s32 $0x108;
	_ =	swait.ge @!p0 [sflag:s8], $0x0  }
0x24: {  	s3 =	sadd.s32 $0x88, s3;
	s6 =	simm.s32 @!p1 $0x1082;
	[sflag:s4] =	ssyncset.s32 $0xFFFFF086  }
0x25: {  	[simem:s6], [sflag:s4] =	dma.local [hbm:s3], $0xF7A  }
0x26: {  	[smem:$0x3F9F] =	sst s1;
	(tag) =	ssettag s2;
	_ =	strace s9  }
0x27: {  	s1 =	sld [smem:$0x3FAF]  }
0x28: {  	s2 =	sld [smem:$0x3FB0]  }
0x29: {  	s4 =	sld [smem:$0x3FB2]  }
0x2a: {  	p0 =	seq.s32 s5, $0x0;
	s5 =	sld [smem:$0x3FB3]  }
0x2b: {  	s6 =	sld [smem:$0x3FB4]  }
0x2c: {  	s7 =	sld [smem:$0x3FB5]  }
0x2d: {  	s3 =	simm.s32 $0x108;
	s8 =	sld [smem:$0x3FB6]  }
0x2e: {  	s3 =	simm.s32 @!p0 $0x1082;
	s9 =	sld [smem:$0x3FB7]  }
0x2f: {  	lr =	sadd.s32 s0, s3;
	s0 =	sld [smem:$0x3FAE]  }
0x30: {  	s3 =	sld [smem:$0x3FB1]  }
0x31: {  	[smem:$0x3FBA] =	sst s10  }
0x32: {  	s10 =	sld [smem:$0x3FB8];
	_ =	sdelay $0x3  }
0x33: {  	p0 =	seq.s32 s10, $0x1;
	s10 =	sld [smem:$0x3FBA];
	_ =	sdelay $0x3  }
0x34: {  	[smem:$0x3FBA] =	sst s10  }
0x35: {  	s10 =	sld [smem:$0x3FB9];
	_ =	sdelay $0x3  }
0x36: {  	p1 =	seq.s32 s10, $0x1;
	s10 =	sld [smem:$0x3FBA];
	_ =	sdelay $0x3  }
0x37: {  	[smem:$0x3FBA] =	sst s10  }
0x38: {  	s10 =	sld [smem:$0x3FBB]  }
0x39: {  	_ = 	snop;
	(pc) =	sbr.ind lr, $3  }
0x3a: {  	_ = 	snop  }
0x3b: {  	_ = 	snop  }
0x3c: {  	p2 =	seq.s32 s10, $0x1;
	s10 =	sld [smem:$0x3FBA]  }
0x3d: {  	_ =	shalt  }
0x3e: {  	_ =	shalt  }
0x3f: {  	_ =	shalt  }
0x40: {  	_ =	shalt  }
0x41: {  	_ =	shalt  }
0x42: {  	_ =	shalt  }
0x43: {  	_ =	shalt  }
0x44: {  	_ =	shalt  }
0x45: {  	_ =	shalt  }
0x46: {  	_ =	shalt  }
0x47: {  	_ =	shalt  }
0x48: {  	_ =	shalt  }
0x49: {  	_ =	shalt  }
0x4a: {  	_ =	shalt  }
0x4b: {  	_ =	shalt  }
0x4c: {  	_ =	shalt  }
0x4d: {  	_ =	shalt  }
0x4e: {  	_ =	shalt  }
0x4f: {  	_ =	shalt  }
0x50: {  	_ =	shalt  }
0x51: {  	_ =	shalt  }
0x52: {  	_ =	shalt  }
0x53: {  	_ =	shalt  }
0x54: {  	_ =	shalt  }
0x55: {  	_ =	shalt  }
0x56: {  	_ =	shalt  }
0x57: {  	_ =	shalt  }
0x58: {  	_ =	shalt  }
0x59: {  	_ =	shalt  }
0x5a: {  	_ =	shalt  }
0x5b: {  	_ =	shalt  }
0x5c: {  	_ =	shalt  }
0x5d: {  	_ =	shalt  }
0x5e: {  	_ =	shalt  }
0x5f: {  	_ =	shalt  }
0x60: {  	_ =	shalt  }
0x61: {  	_ =	shalt  }
0x62: {  	_ =	shalt  }
0x63: {  	_ =	shalt  }
0x64: {  	_ =	shalt  }
0x65: {  	_ =	shalt  }
0x66: {  	_ =	shalt  }
0x67: {  	_ =	shalt  }
0x68: {  	_ =	shalt  }
0x69: {  	_ =	shalt  }
0x6a: {  	_ =	shalt  }
0x6b: {  	_ =	shalt  }
0x6c: {  	_ =	shalt  }
0x6d: {  	_ =	shalt  }
0x6e: {  	_ =	shalt  }
0x6f: {  	_ =	shalt  }
0x70: {  	_ =	shalt  }
0x71: {  	_ =	shalt  }
0x72: {  	_ =	shalt  }
0x73: {  	_ =	shalt  }
0x74: {  	_ =	shalt  }
0x75: {  	_ =	shalt  }
0x76: {  	_ =	shalt  }
0x77: {  	_ =	shalt  }
0x78: {  	_ =	shalt  }
0x79: {  	_ =	shalt  }
0x7a: {  	_ =	shalt  }
0x7b: {  	_ =	shalt  }
0x7c: {  	_ =	shalt  }
0x7d: {  	_ =	shalt  }
0x7e: {  	_ =	shalt  }
0x7f: {  	_ =	shalt  }
0x80: {  	_ =	shalt  }
0x81: {  	_ =	shalt  }
0x82: {  	_ =	shalt  }
0x83: {  	_ =	shalt  }
0x84: {  	_ =	shalt  }
0x85: {  	_ =	shalt  }
0x86: {  	_ =	shalt  }
0x87: {  	_ =	shalt  }
.Lfunc_end0:
.L_simem_size_0:
called_computation_lowered:
.L_overlay_start_0:
0x88: {  	s2 =	sld [smem:$0x3FD9]  }
0x89: {  	s3 =	sld [smem:$0x3FFE];
	_ =	sdelay $0x1  }
0x8a: {  	s1 =	srdreg.scid  }
0x8b: {  	s0 =	sand.u32 $0x1, s1  }
0x8c: {  	s18 =	sshll.u32 s0, $0xA;
	s2 =	sadd.s32 s3, s2  }
0x8d: {  	s2 =	sadd.s32 s2, s18  }
0x8e: {  	[smem:$0x3FC6] =	sst s2  }
0x8f: {  	_ = 	snop  }
0x90: {  	s2 =	sld [smem:$0x3FC9]  }
0x91: {  	s19 =	sld [smem:$0x3FC8]  }
0x92: {  	s4 =	sld [smem:$0x3FD0];
	(tm) =	ssettm $0x1  }
0x93: {  	s5 =	sld [smem:$0x3FFB];
	_ =	sdelay $0x3  }
0x94: {  	_ =	strace s5  }
0x95: {  	s5 =	sld [smem:$0x3FFC];
	_ =	sdelay $0x3  }
0x96: {  	_ =	strace s5  }
0x97: {  	s5 =	sld [smem:$0x3FFD];
	_ =	sdelay $0x3  }
0x98: {  	_ =	strace s5  }
0x99: {  	_ =	strace $0x8FFFFFFF  }
0x9a: {  	s20 =	sld [smem:$0x3FDB];
	_ =	sdelay $0x1  }
0x9b: {  	s6 =	simm.s32 $_scs_section_size  }
0x9c: {  	s7 =	simm.s32 $_size__tile_overlayer_lowered;
	s8 =	simm.s32 $_tile_overlayer_lowered  }
0x9d: {  	s23 =	simm.s32 $0x1BFF;
	s22 =	sshll.u32 s8, $0x1;
	s5 =	sadd.s32 s6, s20  }
0x9e: {  	s9 =	simm.s32 $0x0;
	s21 =	sshll.u32 s7, $0x1;
	s7 =	sadd.s32 s22, s5  }
0x9f: {  	[timem:s9], [sflag:s23] =	dma.local [hbm:s7], s21  }
0xa0: {  	_ =	swait.ge [sflag:s23], s21  }
0xa1: {  	s6 =	ssub.s32 $0x0, s21;
	[sflag:s23] =	ssyncset.done $0x0  }
0xa2: {  	[sflag:s23] =	ssyncadd.s32 s6;
	_ =	sdelay $0x1  }
0xa3: {  	s24 =	simm.s32 $0x1B8B  }
0xa4: {  	_ =	swait.ge [sflag:s24], $0x1  }
0xa5: {  	[sflag:s24] =	ssyncset.done $0x0  }
0xa6: {  	s25 =	simm.s32 $0x1B8E;
	[sflag:s24] =	ssyncadd.s32 $0xFFFFFFFF  }
0xa7: {  	s26 =	simm.s32 $execute0_lowered;
	[smem:$0x3FD2] =	sst s25  }
0xa8: {  	s6 =	sshll.u32 s26, $0x1;
	_ =	strace $0x80000046;
	[dreg:$0x1] =	wrdreg $0xFFFFFFFF  }
0xa9: {  	s28 =	simm.s32 $_size_execute0_lowered;
	s5 =	sadd.s32 s5, s6;
	[dreg:$0x0] =	wrdreg $0x0  }
0xaa: {  	s6 =	sshll.u32 s28, $0x1;
	[dreg:$0x2] =	wrdreg s5  }
0xab: {  	[dreg:$0x3] =	wrdreg s6  }
0xac: {  	[dreg:$0x4] =	wrdreg $0xC0  }
0xad: {  	_ =	task [dreg:s9], $0x5FFFF  }
0xae: {  	[dreg:$0x1] =	wrdreg $0xFFFFFFFF  }
0xaf: {  	[dreg:$0x0] =	wrdreg $0x60  }
0xb0: {  	[dreg:$0x2] =	wrdreg s2  }
0xb1: {  	[dreg:$0x3] =	wrdreg s19  }
0xb2: {  	[dreg:$0x4] =	wrdreg s4  }
0xb3: {  	[dreg:$0x5] =	wrdreg $0x9  }
0xb4: {  	_ =	task.clear_ibuf [dreg:s9], $0x6FFFF;
	_ =	strace $0x90000046  }
0xb5: {  	s29 =	simm.s32 $0x9;
	_ =	strace $0x80000048  }
0xb6: {  	_ =	swait.ge [sflag:s29], $0x1  }
0xb7: {  	[sflag:s29] =	ssyncadd.s32 $0xFFFFFFFF  }
0xb8: {  	_ =	strace $0x90000048  }
0xb9: {  	_ =	sfence  }
0xba: {  	s30 =	sld [smem:$0x0];
	_ =	sdelay $0x2  }
0xbb: {  	s31 =	sshll.u32 s1, $0xD;
	s1 =	sshrl.u32 s1, $0x2  }
0xbc: {  	s3 =	sand.u32 $0x4000, s31;
	s1 =	sadd.s32 s1, s30  }
0xbd: {  	s0 =	sor.u32 s3, s0;
	s1 =	sshll.u32 s1, $0x11  }
0xbe: {  	s0 =	sor.u32 s1, s0  }
0xbf: {  	s0 =	sadd.s32 $0x8F2B, s0  }
0xc0: {  	[sflag:s0] =	ssyncadd.remote.s32 $0x1  }
0xc1: {  	_ =	sfence.sel $0xFFFF  }
0xc2: {  	[dreg:$0x0] =	wrdreg $0xFFFFFFFF;
	(pc) =	sbr.abs _section_cstart, $3  }
0xc3: {  	[dreg:$0x1] =	wrdreg $0xFFFFFFFF  }
0xc4: {  	_ =	task.clear_ibuf [dreg:s9], $0x2FFFF;
	_ =	strace $0x9FFFFFFF  }
0xc5: {  	(tm) =	ssettm $0x7FFFFFFF  }
tec
execute0_lowered:
.L_overlay_start_1:
0x0: {  	(tag) =	ssettag $0x1  }
0x1: {  	v0 =	vimm.s32 $0x1380;
	vm14 =	vcmask $0x300;
	vm13 =	vcmask $0x704  }
0x2: {  	vm12 =	vcmask $0xB08;
	vm11 =	vcmask $0xF0C;
	vm10 =	vcmask $0x1310  }
0x3: {  	vm9 =	vcmask $0x1714;
	vm8 =	vcmask $0x1B18;
	vm7 =	vcmask $0x1F1C  }
0x4: {  	vm6 =	vcmask $0x2320;
	vm5 =	vcmask $0x2724;
	vm4 =	vcmask $0x2B28  }
0x5: {  	vm3 =	vcmask $0x2F2C;
	v1 =	vlaneseq.u32;
	vm2 =	vcmask $0x3330  }
0x6: {  	vm1 =	vcmask $0x3734;
	vm0 =	vcmask $0x3B38;
	v3 =	vimm.s32 $0x3380  }
0x7: {  	v4 =	vimm.s32 $0x5380;
	v5 =	vimm.s32 $0x7380;
	v0 =	vsel vm14, $0x0, v0  }
0x8: {  	v3 =	vsel vm14, $0x2000, v3;
	v4 =	vsel vm14, $0x4000, v4;
	v5 =	vsel vm14, $0x6000, v5  }
0x9: {  	v0 =	vsel vm13, $0x80, v0;
	v3 =	vsel vm13, $0x2080, v3;
	v4 =	vsel vm13, $0x4080, v4  }
0xa: {  	v5 =	vsel vm13, $0x6080, v5;
	v0 =	vsel vm12, $0x100, v0;
	v3 =	vsel vm12, $0x2100, v3  }
0xb: {  	v4 =	vsel vm12, $0x4100, v4;
	v5 =	vsel vm12, $0x6100, v5;
	v0 =	vsel vm11, $0x180, v0  }
0xc: {  	v3 =	vsel vm11, $0x2180, v3;
	v4 =	vsel vm11, $0x4180, v4;
	v5 =	vsel vm11, $0x6180, v5  }
0xd: {  	s1 =	rddreg [dreg:$0x0];
	v0 =	vsel vm10, $0x200, v0;
	v3 =	vsel vm10, $0x2200, v3;
	v4 =	vsel vm10, $0x4200, v4  }
0xe: {  	s0 =	rddreg [dreg:$0x1];
	v5 =	vsel vm10, $0x6200, v5;
	v0 =	vsel vm9, $0x280, v0;
	v3 =	vsel vm9, $0x2280, v3  }
0xf: {  	s2 =	rddreg [dreg:$0x2];
	v4 =	vsel vm9, $0x4280, v4;
	v5 =	vsel vm9, $0x6280, v5;
	v0 =	vsel vm8, $0x300, v0  }
0x10: {  	s3 =	srdreg.scid;
	s6 =	simm.s32 $0x0;
	s8 =	simm.s32 $0x400;
	v3 =	vsel vm8, $0x2300, v3;
	v4 =	vsel vm8, $0x4300, v4;
	v5 =	vsel vm8, $0x6300, v5  }
0x11: {  	s5 =	stileid.u32;
	s9 =	simm.s32 $0x7A1400;
	s10 =	simm.s32 $0x200;
	v0 =	vsel vm7, $0x380, v0;
	v3 =	vsel vm7, $0x2380, v3;
	v4 =	vsel vm7, $0x4380, v4  }
0x12: {  	s11 =	simm.s32 $0x2200;
	s12 =	simm.s32 $0x4200;
	s13 =	simm.s32 $0x6200;
	v5 =	vsel vm7, $0x6380, v5;
	v0 =	vsel vm6, $0x1000, v0;
	v3 =	vsel vm6, $0x3000, v3  }
0x13: {  	s14 =	simm.s32 $0x8200;
	s15 =	simm.s32 $0xA200;
	s16 =	simm.s32 $0xC200;
	v4 =	vsel vm6, $0x5000, v4;
	v5 =	vsel vm6, $0x7000, v5;
	v0 =	vsel vm5, $0x1080, v0  }
0x14: {  	s17 =	simm.s32 $0xE200;
	s20 =	simm.s32 $0x2;
	s19 =	simm.s32 $0x10200;
	v3 =	vsel vm5, $0x3080, v3;
	v4 =	vsel vm5, $0x5080, v4;
	v5 =	vsel vm5, $0x7080, v5  }
0x15: {  	s22 =	simm.s32 $0x4;
	s21 =	simm.s32 $0x5;
	s23 =	simm.s32 $0x6;
	v0 =	vsel vm4, $0x1100, v0;
	v3 =	vsel vm4, $0x3100, v3;
	v4 =	vsel vm4, $0x5100, v4  }
0x16: {  	s24 =	simm.s32 $0x7;
	s3 =	sand.u32 $0x1, s3;
	s5 =	sshll.u32 s5, $0xA;
	v5 =	vsel vm4, $0x7100, v5;
	v2 =	vsel vm3, $0x1180, v0;
	v0 =	vmul.u32 $0x80, v1  }
0x17: {  	[smem:$0x7FF] =	sst s6;
	s4 =	ssub.s32 $0x2, s3;
	s3 =	sshll.u32 s3, $0x9;
	v3 =	vsel vm3, $0x3180, v3;
	v4 =	vsel vm3, $0x5180, v4;
	v5 =	vsel vm3, $0x7180, v5  }
0x18: {  	s25 =	simm.s32 $0x8;
	_ =	strace $0x80000047;
	s3 =	sor.u32 s3, s5;
	v1 =	vsel vm2, $0x1200, v2;
	v3 =	vsel vm2, $0x3200, v3;
	v6 =	vsel vm2, $0x5200, v4  }
0x19: {  	s29 =	sshrl.u32 s4, $0x1;
	s5 =	sshrl.u32 s3, $0x3;
	s30 =	sadd.s32 s2, s3;
	v5 =	vsel vm2, $0x7200, v5;
	v1 =	vsel vm1, $0x1280, v1;
	v2 =	vor.u32 $0x800, v0  }
0x1a: {  	s4 =	ssub.s32 s4, s29;
	s1 =	sadd.s32 s1, s5;
	[dreg:$0x5] =	wrdreg s30;
	v3 =	vsel vm1, $0x3280, v3;
	v4 =	vor.u32 $0x1000, v0;
	v6 =	vsel vm1, $0x5280, v6  }
0x1b: {  	s26 =	simm.s32 $0x9;
	s31 =	smax.u32 s4, $0x1;
	[dreg:$0x4] =	wrdreg s1;
	v7 =	vsel vm1, $0x7280, v5;
	v1 =	vsel vm0, $0x1300, v1;
	v3 =	vsel vm0, $0x3300, v3  }
0x1c: {  	s6 =	simm.s32 $0x3;
	s3 =	simm.s32 $0x0;
	[dreg:$0x6] =	wrdreg s31;
	v5 =	vsel vm0, $0x5300, v6;
	v6 =	vor.u32 $0x1800, v0;
	v7 =	vsel vm0, $0x7300, v7  }
.LBB2_1:
0x1d: {  	[dreg:$0x7] =	wrdreg s3  }
0x1e: {  	s1 =	simm.s32 $0x0;
	s2 =	rddreg [dreg:$0x4];
	s30 =	simm.s32 $0x1  }
0x1f: {  	[tilespmem:s1], [sflag:$0x1] =	stream.linear.gather [hbm4b:s2+s1], $0x200, $0x38;
	[tilespmem:$0x18200] =	vst v63  }
0x20: {  	_ =	swait.ge [sflag:s30], $0x200  }
0x21: {  	[sflag:s30] =	ssyncset.done $0x0  }
0x22: {  	[sflag:s30] =	ssyncadd.s32 $0xFFFFFE00  }
0x23: {  	v8 =	vld [tilespmem:$0x0];
	_ =	sdelay $0x4  }
0x24: {  	(v2sf) =	vpush v8, $0x0;
	_ =	sdelay $0x1  }
0x25: {  	(v2sf) =	vpush v8, $0x1;
	_ =	sdelay $0x3  }
0x26: {  	(v2sf) =	vpush v8, $0x2  }
0x27: {  	(v2sf) =	vpush v8, $0x3;
	_ =	sdelay $0x1  }
0x28: {  	(v2sf) =	vpush v8, $0x4;
	_ =	sdelay $0x5  }
0x29: {  	s31 =	spop (v2sf);
	(v2sf) =	vpush v8, $0x5;
	_ =	sdelay $0x1  }
0x2a: {  	s2 =	spop (v2sf);
	(v2sf) =	vpush v8, $0x6  }
0x2b: {  	s1 =	sand.u32 $0xFFFFF80, s31  }
0x2c: {  	s1 =	sadd.s32 s0, s1  }
0x2d: {  	[tilespmem:s10], [sflag:$0x2] =	stream.strided.gather [hbm4b:s1+s8], $0x2000, s9, s8, $0x38;
	[tilespmem:$0x18200] =	vst v63  }
0x2e: {  	s3 =	spop (v2sf);
	s1 =	sand.u32 $0xFFFFF80, s2  }
0x2f: {  	s4 =	sand.u32 $0xFFFFF80, s3;
	s5 =	spop (v2sf);
	s1 =	sadd.s32 s0, s1  }
0x30: {  	[tilespmem:s11], [sflag:$0x3] =	stream.strided.gather [hbm4b:s1+s8], $0x2000, s9, s8, $0x38;
	[tilespmem:$0x18200] =	vst v63  }
0x31: {  	s7 =	sand.u32 $0xFFFFF80, s5;
	s18 =	spop (v2sf);
	s1 =	sadd.s32 s0, s4  }
0x32: {  	[tilespmem:s12], [sflag:$0x4] =	stream.strided.gather [hbm4b:s1+s8], $0x2000, s9, s8, $0x38;
	[tilespmem:$0x18200] =	vst v63  }
0x33: {  	s28 =	sand.u32 $0xFFFFF80, s18;
	s1 =	sadd.s32 s0, s7  }
0x34: {  	[tilespmem:s13], [sflag:$0x5] =	stream.strided.gather [hbm4b:s1+s8], $0x2000, s9, s8, $0x38;
	[tilespmem:$0x18200] =	vst v63  }
0x35: {  	s1 =	sadd.s32 s0, s28  }
0x36: {  	[tilespmem:s14], [sflag:$0x6] =	stream.strided.gather [hbm4b:s1+s8], $0x2000, s9, s8, $0x38;
	[tilespmem:$0x18200] =	vst v63  }
0x37: {  	s29 =	spop (v2sf)  }
0x38: {  	s30 =	sand.u32 $0xFFFFF80, s29  }
0x39: {  	s31 =	spop (v2sf);
	s1 =	sadd.s32 s0, s30  }
0x3a: {  	[tilespmem:s15], [sflag:$0x7] =	stream.strided.gather [hbm4b:s1+s8], $0x2000, s9, s8, $0x38;
	[tilespmem:$0x18200] =	vst v63  }
0x3b: {  	s1 =	sand.u32 $0xFFFFF80, s31  }
0x3c: {  	s1 =	sadd.s32 s0, s1  }
0x3d: {  	[tilespmem:s16], [sflag:$0x8] =	stream.strided.gather [hbm4b:s1+s8], $0x2000, s9, s8, $0x38;
	[tilespmem:$0x18200] =	vst v63  }
0x3e: {  	s2 =	simm.s32 $0x10;
	s1 =	simm.s32 $0xF  }
.LBB2_2:
0x3f: {  	v8 =	vld [tilespmem:s2+$0xFFFFFFF0];
	_ =	sdelay $0x4  }
0x40: {  	(v2sf) =	vpush v8, $0x7;
	_ =	sdelay $0xe  }
0x41: {  	s3 =	spop (v2sf)  }
0x42: {  	s4 =	sand.u32 $0xFFFFF80, s3  }
0x43: {  	s4 =	sadd.s32 s0, s4  }
0x44: {  	[tilespmem:s17], [sflag:$0x9] =	stream.strided.gather [hbm4b:s4+s8], $0x2000, s9, s8, $0x38;
	[tilespmem:$0x18200] =	vst v63  }
0x45: {  	_ =	swait.ge [sflag:s20], $0x2000  }
0x46: {  	(v2sf) =	vpush v8, $0x0;
	_ =	sdelay $0xe  }
0x47: {  	s7 =	spop (v2sf)  }
0x48: {  	s4 =	sand.u32 $0x7F, s7  }
0x49: {  	s5 =	sadd.s32 $0xFFFFFFF1, s1;
	v9 =	vor.u32 s4, v0  }
0x4a: {  	v10 =	vmov s5  }
0x4b: {  	v11 =	vshll.u32 v10, $0x3  }
0x4c: {  	v10 =	vand.u32 $0x70, v10;
	v11 =	vand.u32 $0xC00, v11;
	[sflag:s20] =	ssyncset.done $0x0  }
0x4d: {  	v10 =	vor.u32 v10, v11;
	[sflag:s20] =	ssyncadd.s32 $0xFFFFE000  }
0x4e: {  	v11 =	vor.u32 v1, v10;
	v9 =	vld.idx.msk [tilespmem:v9+s10+$0x0], $0xffff  }
0x4f: {  	v12 =	vor.u32 s4, v2;
	_ =	sdelay $0x3  }
0x50: {  	[tilespmem:v11+s19+$0x0] =	vst.idx.msk $0xffff, v9  }
0x51: {  	v48 =	vor.u32 v3, v10;
	(v2sf) =	vpush v8, $0x8;
	v9 =	vld.idx.msk [tilespmem:v12+s10+$0x0], $0xffff  }
0x52: {  	v49 =	vor.u32 s4, v4;
	_ =	sdelay $0x3  }
0x53: {  	[tilespmem:v48+s19+$0x0] =	vst.idx.msk $0xffff, v9  }
0x54: {  	v50 =	vor.u32 v5, v10;
	v9 =	vld.idx.msk [tilespmem:v49+s10+$0x0], $0xffff  }
0x55: {  	v51 =	vor.u32 s4, v6;
	_ =	sdelay $0x3  }
0x56: {  	[tilespmem:v50+s19+$0x0] =	vst.idx.msk $0xffff, v9  }
0x57: {  	v10 =	vor.u32 v7, v10;
	v9 =	vld.idx.msk [tilespmem:v51+s10+$0x0], $0xffff;
	_ =	sdelay $0x2  }
0x58: {  	s30 =	spop (v2sf)  }
0x59: {  	s18 =	sand.u32 $0xFFFFF80, s30  }
0x5a: {  	s4 =	sadd.s32 s0, s18;
	[tilespmem:v10+s19+$0x0] =	vst.idx.msk $0xffff, v9  }
0x5b: {  	[tilespmem:s10], [sflag:$0x2] =	stream.strided.gather [hbm4b:s4+s8], $0x2000, s9, s8, $0x38;
	[tilespmem:$0x18200] =	vst v63  }
0x5c: {  	_ =	swait.ge [sflag:s6], $0x2000  }
0x5d: {  	(v2sf) =	vpush v8, $0x1;
	_ =	sdelay $0xe  }
0x5e: {  	s28 =	spop (v2sf)  }
0x5f: {  	s4 =	sand.u32 $0x7F, s28  }
0x60: {  	s29 =	sadd.s32 $0xFFFFFFF2, s1;
	v52 =	vor.u32 s4, v0  }
0x61: {  	v53 =	vmov s29  }
0x62: {  	v54 =	vshll.u32 v53, $0x3  }
0x63: {  	v11 =	vand.u32 $0xC00, v54;
	v10 =	vand.u32 $0x71, v53;
	[sflag:s6] =	ssyncset.done $0x0  }
0x64: {  	v10 =	vor.u32 v10, v11;
	[sflag:s6] =	ssyncadd.s32 $0xFFFFE000  }
0x65: {  	v11 =	vor.u32 v1, v10;
	v9 =	vld.idx.msk [tilespmem:v52+s11+$0x0], $0xffff  }
0x66: {  	v55 =	vor.u32 s4, v2;
	_ =	sdelay $0x3  }
0x67: {  	[tilespmem:v11+s19+$0x0] =	vst.idx.msk $0xffff, v9  }
0x68: {  	v56 =	vor.u32 v3, v10;
	(v2sf) =	vpush v8, $0x9;
	v9 =	vld.idx.msk [tilespmem:v55+s11+$0x0], $0xffff  }
0x69: {  	v57 =	vor.u32 s4, v4;
	_ =	sdelay $0x3  }
0x6a: {  	[tilespmem:v56+s19+$0x0] =	vst.idx.msk $0xffff, v9  }
0x6b: {  	v58 =	vor.u32 v5, v10;
	v9 =	vld.idx.msk [tilespmem:v57+s11+$0x0], $0xffff  }
0x6c: {  	v59 =	vor.u32 s4, v6;
	_ =	sdelay $0x3  }
0x6d: {  	[tilespmem:v58+s19+$0x0] =	vst.idx.msk $0xffff, v9  }
0x6e: {  	v10 =	vor.u32 v7, v10;
	v9 =	vld.idx.msk [tilespmem:v59+s11+$0x0], $0xffff;
	_ =	sdelay $0x2  }
0x6f: {  	s28 =	spop (v2sf)  }
0x70: {  	s31 =	sand.u32 $0xFFFFF80, s28  }
0x71: {  	s4 =	sadd.s32 s0, s31;
	[tilespmem:v10+s19+$0x0] =	vst.idx.msk $0xffff, v9  }
0x72: {  	[tilespmem:s11], [sflag:$0x3] =	stream.strided.gather [hbm4b:s4+s8], $0x2000, s9, s8, $0x38;
	[tilespmem:$0x18200] =	vst v63  }
0x73: {  	_ =	swait.ge [sflag:s22], $0x2000  }
0x74: {  	(v2sf) =	vpush v8, $0x2;
	_ =	sdelay $0xe  }
0x75: {  	s5 =	spop (v2sf)  }
0x76: {  	s4 =	sand.u32 $0x7F, s5  }
0x77: {  	s6 =	sadd.s32 $0xFFFFFFF3, s1;
	v60 =	vor.u32 s4, v0  }
0x78: {  	v61 =	vmov s6  }
0x79: {  	v62 =	vshll.u32 v61, $0x3  }
0x7a: {  	v11 =	vand.u32 $0xC00, v62;
	v10 =	vand.u32 $0x72, v61;
	[sflag:s22] =	ssyncset.done $0x0  }
0x7b: {  	v10 =	vor.u32 v10, v11;
	[sflag:s22] =	ssyncadd.s32 $0xFFFFE000  }
0x7c: {  	v11 =	vor.u32 v1, v10;
	v9 =	vld.idx.msk [tilespmem:v60+s12+$0x0], $0xffff  }
0x7d: {  	v63 =	vor.u32 s4, v2;
	_ =	sdelay $0x3  }
0x7e: {  	[tilespmem:v11+s19+$0x0] =	vst.idx.msk $0xffff, v9  }
0x7f: {  	v16 =	vor.u32 v3, v10;
	(v2sf) =	vpush v8, $0xA;
	v9 =	vld.idx.msk [tilespmem:v63+s12+$0x0], $0xffff  }
0x80: {  	v17 =	vor.u32 s4, v4;
	_ =	sdelay $0x3  }
0x81: {  	[tilespmem:v16+s19+$0x0] =	vst.idx.msk $0xffff, v9  }
0x82: {  	v18 =	vor.u32 v5, v10;
	v9 =	vld.idx.msk [tilespmem:v17+s12+$0x0], $0xffff  }
0x83: {  	v19 =	vor.u32 s4, v6;
	_ =	sdelay $0x3  }
0x84: {  	[tilespmem:v18+s19+$0x0] =	vst.idx.msk $0xffff, v9  }
0x85: {  	v10 =	vor.u32 v7, v10;
	v9 =	vld.idx.msk [tilespmem:v19+s12+$0x0], $0xffff;
	_ =	sdelay $0x2  }
0x86: {  	s29 =	spop (v2sf)  }
0x87: {  	s7 =	sand.u32 $0xFFFFF80, s29  }
0x88: {  	s4 =	sadd.s32 s0, s7;
	[tilespmem:v10+s19+$0x0] =	vst.idx.msk $0xffff, v9  }
0x89: {  	[tilespmem:s12], [sflag:$0x4] =	stream.strided.gather [hbm4b:s4+s8], $0x2000, s9, s8, $0x38;
	[tilespmem:$0x18200] =	vst v63  }
0x8a: {  	_ =	swait.ge [sflag:s21], $0x2000  }
0x8b: {  	(v2sf) =	vpush v8, $0x3;
	_ =	sdelay $0xe  }
0x8c: {  	s18 =	spop (v2sf)  }
0x8d: {  	s4 =	sand.u32 $0x7F, s18  }
0x8e: {  	s22 =	sadd.s32 $0xFFFFFFF4, s1;
	v20 =	vor.u32 s4, v0  }
0x8f: {  	v21 =	vmov s22  }
0x90: {  	v22 =	vshll.u32 v21, $0x3  }
0x91: {  	v11 =	vand.u32 $0xC00, v22;
	v10 =	vand.u32 $0x73, v21;
	[sflag:s21] =	ssyncset.done $0x0  }
0x92: {  	v10 =	vor.u32 v10, v11;
	[sflag:s21] =	ssyncadd.s32 $0xFFFFE000  }
0x93: {  	v11 =	vor.u32 v1, v10;
	v9 =	vld.idx.msk [tilespmem:v20+s13+$0x0], $0xffff  }
0x94: {  	v23 =	vor.u32 s4, v2;
	_ =	sdelay $0x3  }
0x95: {  	[tilespmem:v11+s19+$0x0] =	vst.idx.msk $0xffff, v9  }
0x96: {  	v24 =	vor.u32 v3, v10;
	(v2sf) =	vpush v8, $0xB;
	v9 =	vld.idx.msk [tilespmem:v23+s13+$0x0], $0xffff  }
0x97: {  	v25 =	vor.u32 s4, v4;
	_ =	sdelay $0x3  }
0x98: {  	[tilespmem:v24+s19+$0x0] =	vst.idx.msk $0xffff, v9  }
0x99: {  	v26 =	vor.u32 v5, v10;
	v9 =	vld.idx.msk [tilespmem:v25+s13+$0x0], $0xffff  }
0x9a: {  	v27 =	vor.u32 s4, v6;
	_ =	sdelay $0x3  }
0x9b: {  	[tilespmem:v26+s19+$0x0] =	vst.idx.msk $0xffff, v9  }
0x9c: {  	v10 =	vor.u32 v7, v10;
	v9 =	vld.idx.msk [tilespmem:v27+s13+$0x0], $0xffff;
	_ =	sdelay $0x2  }
0x9d: {  	s4 =	spop (v2sf)  }
0x9e: {  	s31 =	sand.u32 $0xFFFFF80, s4  }
0x9f: {  	s5 =	sadd.s32 s0, s31;
	[tilespmem:v10+s19+$0x0] =	vst.idx.msk $0xffff, v9  }
0xa0: {  	[tilespmem:s13], [sflag:$0x5] =	stream.strided.gather [hbm4b:s5+s8], $0x2000, s9, s8, $0x38;
	[tilespmem:$0x18200] =	vst v63  }
0xa1: {  	_ =	swait.ge [sflag:s23], $0x2000  }
0xa2: {  	(v2sf) =	vpush v8, $0x4;
	_ =	sdelay $0xe  }
0xa3: {  	s6 =	spop (v2sf)  }
0xa4: {  	s5 =	sand.u32 $0x7F, s6  }
0xa5: {  	s7 =	sadd.s32 $0xFFFFFFF5, s1;
	v28 =	vor.u32 s5, v0  }
0xa6: {  	v29 =	vmov s7  }
0xa7: {  	v30 =	vshll.u32 v29, $0x3  }
0xa8: {  	v11 =	vand.u32 $0xC00, v30;
	v10 =	vand.u32 $0x74, v29;
	[sflag:s23] =	ssyncset.done $0x0  }
0xa9: {  	v10 =	vor.u32 v10, v11;
	[sflag:s23] =	ssyncadd.s32 $0xFFFFE000  }
0xaa: {  	v11 =	vor.u32 v1, v10;
	v9 =	vld.idx.msk [tilespmem:v28+s14+$0x0], $0xffff  }
0xab: {  	v31 =	vor.u32 s5, v2;
	_ =	sdelay $0x3  }
0xac: {  	[tilespmem:v11+s19+$0x0] =	vst.idx.msk $0xffff, v9  }
0xad: {  	v32 =	vor.u32 v3, v10;
	(v2sf) =	vpush v8, $0xC;
	v9 =	vld.idx.msk [tilespmem:v31+s14+$0x0], $0xffff  }
0xae: {  	v33 =	vor.u32 s5, v4;
	_ =	sdelay $0x3  }
0xaf: {  	[tilespmem:v32+s19+$0x0] =	vst.idx.msk $0xffff, v9  }
0xb0: {  	v34 =	vor.u32 v5, v10;
	v9 =	vld.idx.msk [tilespmem:v33+s14+$0x0], $0xffff  }
0xb1: {  	v35 =	vor.u32 s5, v6;
	_ =	sdelay $0x3  }
0xb2: {  	[tilespmem:v34+s19+$0x0] =	vst.idx.msk $0xffff, v9  }
0xb3: {  	v10 =	vor.u32 v7, v10;
	v9 =	vld.idx.msk [tilespmem:v35+s14+$0x0], $0xffff;
	_ =	sdelay $0x2  }
0xb4: {  	s5 =	spop (v2sf)  }
0xb5: {  	s18 =	sand.u32 $0xFFFFF80, s5  }
0xb6: {  	s6 =	sadd.s32 s0, s18;
	[tilespmem:v10+s19+$0x0] =	vst.idx.msk $0xffff, v9  }
0xb7: {  	[tilespmem:s14], [sflag:$0x6] =	stream.strided.gather [hbm4b:s6+s8], $0x2000, s9, s8, $0x38;
	[tilespmem:$0x18200] =	vst v63  }
0xb8: {  	_ =	swait.ge [sflag:s24], $0x2000  }
0xb9: {  	(v2sf) =	vpush v8, $0x5;
	_ =	sdelay $0xe  }
0xba: {  	s21 =	spop (v2sf)  }
0xbb: {  	s6 =	sand.u32 $0x7F, s21  }
0xbc: {  	s7 =	sadd.s32 $0xFFFFFFF6, s1;
	v36 =	vor.u32 s6, v0  }
0xbd: {  	v37 =	vmov s7  }
0xbe: {  	v38 =	vshll.u32 v37, $0x3  }
0xbf: {  	v11 =	vand.u32 $0xC00, v38;
	v10 =	vand.u32 $0x75, v37;
	[sflag:s24] =	ssyncset.done $0x0  }
0xc0: {  	v10 =	vor.u32 v10, v11;
	[sflag:s24] =	ssyncadd.s32 $0xFFFFE000  }
0xc1: {  	v11 =	vor.u32 v1, v10;
	v9 =	vld.idx.msk [tilespmem:v36+s15+$0x0], $0xffff  }
0xc2: {  	v39 =	vor.u32 s6, v2;
	_ =	sdelay $0x3  }
0xc3: {  	[tilespmem:v11+s19+$0x0] =	vst.idx.msk $0xffff, v9  }
0xc4: {  	v40 =	vor.u32 v3, v10;
	(v2sf) =	vpush v8, $0xD;
	v9 =	vld.idx.msk [tilespmem:v39+s15+$0x0], $0xffff  }
0xc5: {  	v41 =	vor.u32 s6, v4;
	_ =	sdelay $0x3  }
0xc6: {  	[tilespmem:v40+s19+$0x0] =	vst.idx.msk $0xffff, v9  }
0xc7: {  	v42 =	vor.u32 v5, v10;
	v9 =	vld.idx.msk [tilespmem:v41+s15+$0x0], $0xffff  }
0xc8: {  	v43 =	vor.u32 s6, v6;
	_ =	sdelay $0x3  }
0xc9: {  	[tilespmem:v42+s19+$0x0] =	vst.idx.msk $0xffff, v9  }
0xca: {  	v10 =	vor.u32 v7, v10;
	v9 =	vld.idx.msk [tilespmem:v43+s15+$0x0], $0xffff;
	_ =	sdelay $0x2  }
0xcb: {  	s6 =	spop (v2sf)  }
0xcc: {  	s31 =	sand.u32 $0xFFFFF80, s6  }
0xcd: {  	s7 =	sadd.s32 s0, s31;
	[tilespmem:v10+s19+$0x0] =	vst.idx.msk $0xffff, v9  }
0xce: {  	[tilespmem:s15], [sflag:$0x7] =	stream.strided.gather [hbm4b:s7+s8], $0x2000, s9, s8, $0x38;
	[tilespmem:$0x18200] =	vst v63  }
0xcf: {  	_ =	swait.ge [sflag:s25], $0x2000  }
0xd0: {  	(v2sf) =	vpush v8, $0x6;
	_ =	sdelay $0xe  }
0xd1: {  	s18 =	spop (v2sf)  }
0xd2: {  	s7 =	sand.u32 $0x7F, s18  }
0xd3: {  	s31 =	sadd.s32 $0xFFFFFFF7, s1;
	v44 =	vor.u32 s7, v0  }
0xd4: {  	v45 =	vmov s31  }
0xd5: {  	v46 =	vshll.u32 v45, $0x3  }
0xd6: {  	v11 =	vand.u32 $0xC00, v46;
	v10 =	vand.u32 $0x76, v45;
	[sflag:s25] =	ssyncset.done $0x0  }
0xd7: {  	v10 =	vor.u32 v10, v11;
	[sflag:s25] =	ssyncadd.s32 $0xFFFFE000  }
0xd8: {  	v11 =	vor.u32 v1, v10;
	v9 =	vld.idx.msk [tilespmem:v44+s16+$0x0], $0xffff  }
0xd9: {  	v47 =	vor.u32 s7, v2;
	_ =	sdelay $0x3  }
0xda: {  	[tilespmem:v11+s19+$0x0] =	vst.idx.msk $0xffff, v9  }
0xdb: {  	v48 =	vor.u32 v3, v10;
	(v2sf) =	vpush v8, $0xE;
	v9 =	vld.idx.msk [tilespmem:v47+s16+$0x0], $0xffff  }
0xdc: {  	v49 =	vor.u32 s7, v4;
	_ =	sdelay $0x3  }
0xdd: {  	[tilespmem:v48+s19+$0x0] =	vst.idx.msk $0xffff, v9  }
0xde: {  	v50 =	vor.u32 v5, v10;
	v9 =	vld.idx.msk [tilespmem:v49+s16+$0x0], $0xffff  }
0xdf: {  	v51 =	vor.u32 s7, v6;
	_ =	sdelay $0x3  }
0xe0: {  	[tilespmem:v50+s19+$0x0] =	vst.idx.msk $0xffff, v9  }
0xe1: {  	v10 =	vor.u32 v7, v10;
	v9 =	vld.idx.msk [tilespmem:v51+s16+$0x0], $0xffff;
	_ =	sdelay $0x2  }
0xe2: {  	s7 =	spop (v2sf)  }
0xe3: {  	s3 =	sand.u32 $0x7F, s3;
	s21 =	sand.u32 $0xFFFFF80, s7  }
0xe4: {  	v52 =	vor.u32 s3, v0;
	s18 =	sadd.s32 $0xFFFFFFF8, s1;
	s31 =	sadd.s32 s0, s21;
	[tilespmem:v10+s19+$0x0] =	vst.idx.msk $0xffff, v9  }
0xe5: {  	v53 =	vmov s18;
	[tilespmem:s16], [sflag:$0x8] =	stream.strided.gather [hbm4b:s31+s8], $0x2000, s9, s8, $0x38;
	[tilespmem:$0x18200] =	vst v63  }
0xe6: {  	v54 =	vshll.u32 v53, $0x3;
	_ =	swait.ge [sflag:s26], $0x2000  }
0xe7: {  	v11 =	vand.u32 $0xC00, v54;
	v10 =	vand.u32 $0x77, v53;
	[sflag:s26] =	ssyncset.done $0x0  }
0xe8: {  	v10 =	vor.u32 v10, v11;
	[sflag:s26] =	ssyncadd.s32 $0xFFFFE000  }
0xe9: {  	v11 =	vor.u32 v1, v10;
	v9 =	vld.idx.msk [tilespmem:v52+s17+$0x0], $0xffff  }
0xea: {  	v55 =	vor.u32 s3, v2;
	_ =	sdelay $0x3  }
0xeb: {  	[tilespmem:v11+s19+$0x0] =	vst.idx.msk $0xffff, v9  }
0xec: {  	v56 =	vor.u32 v3, v10;
	(v2sf) =	vpush v8, $0xF;
	v9 =	vld.idx.msk [tilespmem:v55+s17+$0x0], $0xffff  }
0xed: {  	v8 =	vor.u32 s3, v4;
	_ =	sdelay $0x3  }
0xee: {  	[tilespmem:v56+s19+$0x0] =	vst.idx.msk $0xffff, v9  }
0xef: {  	v57 =	vor.u32 v5, v10;
	v8 =	vld.idx.msk [tilespmem:v8+s17+$0x0], $0xffff  }
0xf0: {  	v58 =	vor.u32 s3, v6;
	_ =	sdelay $0x3  }
0xf1: {  	[tilespmem:v57+s19+$0x0] =	vst.idx.msk $0xffff, v8  }
0xf2: {  	v59 =	vor.u32 v7, v10;
	v8 =	vld.idx.msk [tilespmem:v58+s17+$0x0], $0xffff;
	_ =	sdelay $0x2  }
0xf3: {  	s3 =	spop (v2sf)  }
0xf4: {  	s30 =	sand.u32 $0x7F, s30;
	s31 =	sand.u32 $0xFFFFF80, s3  }
0xf5: {  	s21 =	sadd.s32 $0xFFFFFFF9, s1;
	s18 =	sadd.s32 s0, s31;
	[tilespmem:v59+s19+$0x0] =	vst.idx.msk $0xffff, v8;
	v8 =	vor.u32 s30, v0  }
0xf6: {  	v60 =	vmov s21;
	[tilespmem:s17], [sflag:$0x9] =	stream.strided.gather [hbm4b:s18+s8], $0x2000, s9, s8, $0x38;
	[tilespmem:$0x18200] =	vst v63  }
0xf7: {  	v61 =	vshll.u32 v60, $0x3;
	_ =	swait.ge [sflag:s20], $0x2000  }
0xf8: {  	v10 =	vand.u32 $0xC00, v61;
	v9 =	vand.u32 $0x78, v60;
	[sflag:s20] =	ssyncset.done $0x0  }
0xf9: {  	v9 =	vor.u32 v9, v10;
	[sflag:s20] =	ssyncadd.s32 $0xFFFFE000  }
0xfa: {  	v10 =	vor.u32 v1, v9;
	v8 =	vld.idx.msk [tilespmem:v8+s10+$0x0], $0xffff  }
0xfb: {  	v62 =	vor.u32 s30, v2;
	_ =	sdelay $0x3  }
0xfc: {  	[tilespmem:v10+s19+$0x0] =	vst.idx.msk $0xffff, v8  }
0xfd: {  	v63 =	vor.u32 v3, v9;
	v8 =	vld.idx.msk [tilespmem:v62+s10+$0x0], $0xffff  }
0xfe: {  	v12 =	vor.u32 s30, v4;
	_ =	sdelay $0x3  }
0xff: {  	[tilespmem:v63+s19+$0x0] =	vst.idx.msk $0xffff, v8  }
0x100: {  	v13 =	vor.u32 v5, v9;
	v8 =	vld.idx.msk [tilespmem:v12+s10+$0x0], $0xffff  }
0x101: {  	v14 =	vor.u32 s30, v6;
	_ =	sdelay $0x3  }
0x102: {  	[tilespmem:v13+s19+$0x0] =	vst.idx.msk $0xffff, v8  }
0x103: {  	v9 =	vor.u32 v7, v9;
	v8 =	vld.idx.msk [tilespmem:v14+s10+$0x0], $0xffff;
	_ =	sdelay $0x4  }
0x104: {  	p0 =	seq.s32 s1, $0x1FF;
	[tilespmem:v9+s19+$0x0] =	vst.idx.msk $0xffff, v8  }
0x105: {  	v8 =	vld @!p0 [tilespmem:s2+$0x0];
	_ =	sdelay $0x4  }
0x106: {  	(v2sf) =	vpush @!p0 v8, $0x0;
	_ =	sdelay $0xe  }
0x107: {  	s21 =	sadd.s32 $0xFFFFFFFA, s1;
	s31 =	sand.u32 $0x7F, s28;
	s18 =	spop @!p0 (v2sf)  }
0x108: {  	s22 =	simm.s32 $0x3;
	s28 =	simm.s32 @!p0 $0x7A1400;
	s18 =	sand.u32 @!p0 $0xFFFFF80, s18  }
0x109: {  	s30 =	simm.s32 @!p0 $0x400;
	s20 =	simm.s32 @!p0 $0x200;
	v8 =	vor.u32 s31, v0;
	s18 =	sadd.s32 @!p0 s0, s18  }
0x10a: {  	v15 =	vmov s21;
	[tilespmem:s20], [sflag:$0x2] =	stream.strided.gather @!p0 [hbm4b:s18+s30], $0x2000, s28, s30, $0x38;
	[tilespmem:$0x18200] =	vst v63  }
0x10b: {  	v16 =	vshll.u32 v15, $0x3;
	_ =	swait.ge [sflag:s22], $0x2000  }
0x10c: {  	v10 =	vand.u32 $0xC00, v16;
	v9 =	vand.u32 $0x79, v15;
	[sflag:s22] =	ssyncset.done $0x0  }
0x10d: {  	v9 =	vor.u32 v9, v10;
	[sflag:s22] =	ssyncadd.s32 $0xFFFFE000  }
0x10e: {  	v10 =	vor.u32 v1, v9;
	v8 =	vld.idx.msk [tilespmem:v8+s11+$0x0], $0xffff  }
0x10f: {  	v17 =	vor.u32 s31, v2;
	_ =	sdelay $0x3  }
0x110: {  	[tilespmem:v10+s19+$0x0] =	vst.idx.msk $0xffff, v8  }
0x111: {  	v18 =	vor.u32 v3, v9;
	v8 =	vld.idx.msk [tilespmem:v17+s11+$0x0], $0xffff  }
0x112: {  	v19 =	vor.u32 s31, v4;
	_ =	sdelay $0x3  }
0x113: {  	[tilespmem:v18+s19+$0x0] =	vst.idx.msk $0xffff, v8  }
0x114: {  	v20 =	vor.u32 v5, v9;
	v8 =	vld.idx.msk [tilespmem:v19+s11+$0x0], $0xffff  }
0x115: {  	v21 =	vor.u32 s31, v6;
	_ =	sdelay $0x3  }
0x116: {  	[tilespmem:v20+s19+$0x0] =	vst.idx.msk $0xffff, v8  }
0x117: {  	v9 =	vor.u32 v7, v9;
	v8 =	vld.idx.msk [tilespmem:v21+s11+$0x0], $0xffff;
	_ =	sdelay $0x4  }
0x118: {  	[tilespmem:v9+s19+$0x0] =	vst.idx.msk $0xffff, v8  }
0x119: {  	v8 =	vld @!p0 [tilespmem:s2+$0x0];
	_ =	sdelay $0x4  }
0x11a: {  	(v2sf) =	vpush @!p0 v8, $0x1;
	_ =	sdelay $0xe  }
0x11b: {  	s18 =	spop @!p0 (v2sf)  }
0x11c: {  	s21 =	simm.s32 @!p0 $0x2200;
	s20 =	sand.u32 $0x7F, s29;
	s18 =	sand.u32 @!p0 $0xFFFFF80, s18  }
0x11d: {  	s31 =	sadd.s32 $0xFFFFFFFB, s1;
	s22 =	simm.s32 $0x4;
	v8 =	vor.u32 s20, v0;
	s18 =	sadd.s32 @!p0 s0, s18  }
0x11e: {  	v22 =	vmov s31;
	[tilespmem:s21], [sflag:$0x3] =	stream.strided.gather @!p0 [hbm4b:s18+s30], $0x2000, s28, s30, $0x38;
	[tilespmem:$0x18200] =	vst v63  }
0x11f: {  	v23 =	vshll.u32 v22, $0x3;
	_ =	swait.ge [sflag:s22], $0x2000  }
0x120: {  	v10 =	vand.u32 $0xC00, v23;
	v9 =	vand.u32 $0x7A, v22;
	[sflag:s22] =	ssyncset.done $0x0  }
0x121: {  	v9 =	vor.u32 v9, v10;
	[sflag:s22] =	ssyncadd.s32 $0xFFFFE000  }
0x122: {  	v10 =	vor.u32 v1, v9;
	v8 =	vld.idx.msk [tilespmem:v8+s12+$0x0], $0xffff  }
0x123: {  	v24 =	vor.u32 s20, v2;
	_ =	sdelay $0x3  }
0x124: {  	[tilespmem:v10+s19+$0x0] =	vst.idx.msk $0xffff, v8  }
0x125: {  	v25 =	vor.u32 v3, v9;
	v8 =	vld.idx.msk [tilespmem:v24+s12+$0x0], $0xffff  }
0x126: {  	v26 =	vor.u32 s20, v4;
	_ =	sdelay $0x3  }
0x127: {  	[tilespmem:v25+s19+$0x0] =	vst.idx.msk $0xffff, v8  }
0x128: {  	v27 =	vor.u32 v5, v9;
	v8 =	vld.idx.msk [tilespmem:v26+s12+$0x0], $0xffff  }
0x129: {  	v28 =	vor.u32 s20, v6;
	_ =	sdelay $0x3  }
0x12a: {  	[tilespmem:v27+s19+$0x0] =	vst.idx.msk $0xffff, v8  }
0x12b: {  	v9 =	vor.u32 v7, v9;
	v8 =	vld.idx.msk [tilespmem:v28+s12+$0x0], $0xffff;
	_ =	sdelay $0x4  }
0x12c: {  	[tilespmem:v9+s19+$0x0] =	vst.idx.msk $0xffff, v8  }
0x12d: {  	v8 =	vld @!p0 [tilespmem:s2+$0x0];
	_ =	sdelay $0x4  }
0x12e: {  	(v2sf) =	vpush @!p0 v8, $0x2;
	_ =	sdelay $0xe  }
0x12f: {  	s18 =	spop @!p0 (v2sf)  }
0x130: {  	s4 =	sand.u32 $0x7F, s4;
	s29 =	sadd.s32 $0xFFFFFFFC, s1;
	s18 =	sand.u32 @!p0 $0xFFFFF80, s18  }
0x131: {  	s20 =	simm.s32 @!p0 $0x4200;
	s21 =	simm.s32 $0x5;
	v8 =	vor.u32 s4, v0;
	s18 =	sadd.s32 @!p0 s0, s18  }
0x132: {  	v29 =	vmov s29;
	[tilespmem:s20], [sflag:$0x4] =	stream.strided.gather @!p0 [hbm4b:s18+s30], $0x2000, s28, s30, $0x38;
	[tilespmem:$0x18200] =	vst v63  }
0x133: {  	v30 =	vshll.u32 v29, $0x3;
	_ =	swait.ge [sflag:s21], $0x2000  }
0x134: {  	v10 =	vand.u32 $0xC00, v30;
	v9 =	vand.u32 $0x7B, v29;
	[sflag:s21] =	ssyncset.done $0x0  }
0x135: {  	v9 =	vor.u32 v9, v10;
	[sflag:s21] =	ssyncadd.s32 $0xFFFFE000  }
0x136: {  	v10 =	vor.u32 v1, v9;
	v8 =	vld.idx.msk [tilespmem:v8+s13+$0x0], $0xffff  }
0x137: {  	v31 =	vor.u32 s4, v2;
	_ =	sdelay $0x3  }
0x138: {  	[tilespmem:v10+s19+$0x0] =	vst.idx.msk $0xffff, v8  }
0x139: {  	v32 =	vor.u32 v3, v9;
	v8 =	vld.idx.msk [tilespmem:v31+s13+$0x0], $0xffff  }
0x13a: {  	v33 =	vor.u32 s4, v4;
	_ =	sdelay $0x3  }
0x13b: {  	[tilespmem:v32+s19+$0x0] =	vst.idx.msk $0xffff, v8  }
0x13c: {  	v34 =	vor.u32 v5, v9;
	v8 =	vld.idx.msk [tilespmem:v33+s13+$0x0], $0xffff  }
0x13d: {  	v35 =	vor.u32 s4, v6;
	_ =	sdelay $0x3  }
0x13e: {  	[tilespmem:v34+s19+$0x0] =	vst.idx.msk $0xffff, v8  }
0x13f: {  	v9 =	vor.u32 v7, v9;
	v8 =	vld.idx.msk [tilespmem:v35+s13+$0x0], $0xffff;
	_ =	sdelay $0x4  }
0x140: {  	[tilespmem:v9+s19+$0x0] =	vst.idx.msk $0xffff, v8  }
0x141: {  	v8 =	vld @!p0 [tilespmem:s2+$0x0];
	_ =	sdelay $0x4  }
0x142: {  	(v2sf) =	vpush @!p0 v8, $0x3;
	_ =	sdelay $0xe  }
0x143: {  	s4 =	spop @!p0 (v2sf)  }
0x144: {  	s5 =	sand.u32 $0x7F, s5;
	s4 =	sand.u32 @!p0 $0xFFFFF80, s4  }
0x145: {  	s31 =	sadd.s32 $0xFFFFFFFD, s1;
	s18 =	simm.s32 @!p0 $0x6200;
	v8 =	vor.u32 s5, v0;
	s4 =	sadd.s32 @!p0 s0, s4  }
0x146: {  	v36 =	vmov s31;
	[tilespmem:s18], [sflag:$0x5] =	stream.strided.gather @!p0 [hbm4b:s4+s30], $0x2000, s28, s30, $0x38;
	[tilespmem:$0x18200] =	vst v63  }
0x147: {  	v37 =	vshll.u32 v36, $0x3;
	_ =	swait.ge [sflag:s23], $0x2000  }
0x148: {  	v10 =	vand.u32 $0xC00, v37;
	v9 =	vand.u32 $0x7C, v36;
	[sflag:s23] =	ssyncset.done $0x0  }
0x149: {  	v9 =	vor.u32 v9, v10;
	[sflag:s23] =	ssyncadd.s32 $0xFFFFE000  }
0x14a: {  	v10 =	vor.u32 v1, v9;
	v8 =	vld.idx.msk [tilespmem:v8+s14+$0x0], $0xffff  }
0x14b: {  	v38 =	vor.u32 s5, v2;
	_ =	sdelay $0x3  }
0x14c: {  	[tilespmem:v10+s19+$0x0] =	vst.idx.msk $0xffff, v8  }
0x14d: {  	v39 =	vor.u32 v3, v9;
	v8 =	vld.idx.msk [tilespmem:v38+s14+$0x0], $0xffff  }
0x14e: {  	v40 =	vor.u32 s5, v4;
	_ =	sdelay $0x3  }
0x14f: {  	[tilespmem:v39+s19+$0x0] =	vst.idx.msk $0xffff, v8  }
0x150: {  	v41 =	vor.u32 v5, v9;
	v8 =	vld.idx.msk [tilespmem:v40+s14+$0x0], $0xffff  }
0x151: {  	v42 =	vor.u32 s5, v6;
	_ =	sdelay $0x3  }
0x152: {  	[tilespmem:v41+s19+$0x0] =	vst.idx.msk $0xffff, v8  }
0x153: {  	v9 =	vor.u32 v7, v9;
	v8 =	vld.idx.msk [tilespmem:v42+s14+$0x0], $0xffff;
	_ =	sdelay $0x4  }
0x154: {  	[tilespmem:v9+s19+$0x0] =	vst.idx.msk $0xffff, v8  }
0x155: {  	v8 =	vld @!p0 [tilespmem:s2+$0x0];
	_ =	sdelay $0x4  }
0x156: {  	(v2sf) =	vpush @!p0 v8, $0x4;
	_ =	sdelay $0xe  }
0x157: {  	s4 =	spop @!p0 (v2sf)  }
0x158: {  	s29 =	sand.u32 $0x7F, s6;
	s4 =	sand.u32 @!p0 $0xFFFFF80, s4  }
0x159: {  	s31 =	sadd.s32 $0xFFFFFFFE, s1;
	s6 =	simm.s32 @!p0 $0x8200;
	v8 =	vor.u32 s29, v0;
	s4 =	sadd.s32 @!p0 s0, s4  }
0x15a: {  	v43 =	vmov s31;
	[tilespmem:s6], [sflag:$0x6] =	stream.strided.gather @!p0 [hbm4b:s4+s30], $0x2000, s28, s30, $0x38;
	[tilespmem:$0x18200] =	vst v63  }
0x15b: {  	v44 =	vshll.u32 v43, $0x3;
	_ =	swait.ge [sflag:s24], $0x2000  }
0x15c: {  	v10 =	vand.u32 $0xC00, v44;
	v9 =	vand.u32 $0x7D, v43;
	[sflag:s24] =	ssyncset.done $0x0  }
0x15d: {  	v9 =	vor.u32 v9, v10;
	[sflag:s24] =	ssyncadd.s32 $0xFFFFE000  }
0x15e: {  	v10 =	vor.u32 v1, v9;
	v8 =	vld.idx.msk [tilespmem:v8+s15+$0x0], $0xffff  }
0x15f: {  	v45 =	vor.u32 s29, v2;
	_ =	sdelay $0x3  }
0x160: {  	[tilespmem:v10+s19+$0x0] =	vst.idx.msk $0xffff, v8  }
0x161: {  	v46 =	vor.u32 v3, v9;
	v8 =	vld.idx.msk [tilespmem:v45+s15+$0x0], $0xffff  }
0x162: {  	v47 =	vor.u32 s29, v4;
	_ =	sdelay $0x3  }
0x163: {  	[tilespmem:v46+s19+$0x0] =	vst.idx.msk $0xffff, v8  }
0x164: {  	v48 =	vor.u32 v5, v9;
	v8 =	vld.idx.msk [tilespmem:v47+s15+$0x0], $0xffff  }
0x165: {  	v49 =	vor.u32 s29, v6;
	_ =	sdelay $0x3  }
0x166: {  	[tilespmem:v48+s19+$0x0] =	vst.idx.msk $0xffff, v8  }
0x167: {  	v9 =	vor.u32 v7, v9;
	v8 =	vld.idx.msk [tilespmem:v49+s15+$0x0], $0xffff;
	_ =	sdelay $0x4  }
0x168: {  	[tilespmem:v9+s19+$0x0] =	vst.idx.msk $0xffff, v8  }
0x169: {  	v8 =	vld @!p0 [tilespmem:s2+$0x0];
	_ =	sdelay $0x4  }
0x16a: {  	(v2sf) =	vpush @!p0 v8, $0x5;
	_ =	sdelay $0xe  }
0x16b: {  	s4 =	spop @!p0 (v2sf)  }
0x16c: {  	s29 =	sand.u32 $0x7F, s7;
	s4 =	sand.u32 @!p0 $0xFFFFF80, s4  }
0x16d: {  	s31 =	sadd.s32 $0xFFFFFFFF, s1;
	s6 =	simm.s32 @!p0 $0xA200;
	v8 =	vor.u32 s29, v0;
	s4 =	sadd.s32 @!p0 s0, s4  }
0x16e: {  	v50 =	vmov s31;
	[tilespmem:s6], [sflag:$0x7] =	stream.strided.gather @!p0 [hbm4b:s4+s30], $0x2000, s28, s30, $0x38;
	[tilespmem:$0x18200] =	vst v63  }
0x16f: {  	v51 =	vshll.u32 v50, $0x3;
	_ =	swait.ge [sflag:s25], $0x2000  }
0x170: {  	v10 =	vand.u32 $0xC00, v51;
	v9 =	vand.u32 $0x7E, v50;
	[sflag:s25] =	ssyncset.done $0x0  }
0x171: {  	v9 =	vor.u32 v9, v10;
	[sflag:s25] =	ssyncadd.s32 $0xFFFFE000  }
0x172: {  	v10 =	vor.u32 v1, v9;
	v8 =	vld.idx.msk [tilespmem:v8+s16+$0x0], $0xffff  }
0x173: {  	v52 =	vor.u32 s29, v2;
	_ =	sdelay $0x3  }
0x174: {  	[tilespmem:v10+s19+$0x0] =	vst.idx.msk $0xffff, v8  }
0x175: {  	v53 =	vor.u32 v3, v9;
	v8 =	vld.idx.msk [tilespmem:v52+s16+$0x0], $0xffff  }
0x176: {  	v54 =	vor.u32 s29, v4;
	_ =	sdelay $0x3  }
0x177: {  	[tilespmem:v53+s19+$0x0] =	vst.idx.msk $0xffff, v8  }
0x178: {  	v55 =	vor.u32 v5, v9;
	v8 =	vld.idx.msk [tilespmem:v54+s16+$0x0], $0xffff  }
0x179: {  	v56 =	vor.u32 s29, v6;
	_ =	sdelay $0x3  }
0x17a: {  	[tilespmem:v55+s19+$0x0] =	vst.idx.msk $0xffff, v8  }
0x17b: {  	v9 =	vor.u32 v7, v9;
	v8 =	vld.idx.msk [tilespmem:v56+s16+$0x0], $0xffff;
	_ =	sdelay $0x4  }
0x17c: {  	[tilespmem:v9+s19+$0x0] =	vst.idx.msk $0xffff, v8  }
0x17d: {  	v8 =	vld @!p0 [tilespmem:s2+$0x0];
	_ =	sdelay $0x4  }
0x17e: {  	(v2sf) =	vpush @!p0 v8, $0x6;
	_ =	sdelay $0xe  }
0x17f: {  	s4 =	spop @!p0 (v2sf)  }
0x180: {  	s3 =	sand.u32 $0x7F, s3;
	s4 =	sand.u32 @!p0 $0xFFFFF80, s4  }
0x181: {  	s5 =	simm.s32 @!p0 $0xC200;
	v8 =	vor.u32 s3, v0;
	s4 =	sadd.s32 @!p0 s0, s4  }
0x182: {  	v57 =	vmov s1;
	[tilespmem:s5], [sflag:$0x8] =	stream.strided.gather @!p0 [hbm4b:s4+s30], $0x2000, s28, s30, $0x38;
	[tilespmem:$0x18200] =	vst v63  }
0x183: {  	v58 =	vshll.u32 v57, $0x3;
	_ =	swait.ge [sflag:s26], $0x2000  }
0x184: {  	v10 =	vand.u32 $0xC00, v58;
	v9 =	vand.u32 $0x7F, v57;
	[sflag:s26] =	ssyncset.done $0x0  }
0x185: {  	v9 =	vor.u32 v9, v10;
	[sflag:s26] =	ssyncadd.s32 $0xFFFFE000  }
0x186: {  	v10 =	vor.u32 v1, v9;
	v8 =	vld.idx.msk [tilespmem:v8+s17+$0x0], $0xffff  }
0x187: {  	v59 =	vor.u32 s3, v2;
	_ =	sdelay $0x3  }
0x188: {  	[tilespmem:v10+s19+$0x0] =	vst.idx.msk $0xffff, v8  }
0x189: {  	v60 =	vor.u32 v3, v9;
	v8 =	vld.idx.msk [tilespmem:v59+s17+$0x0], $0xffff  }
0x18a: {  	v61 =	vor.u32 s3, v4;
	_ =	sdelay $0x3  }
0x18b: {  	[tilespmem:v60+s19+$0x0] =	vst.idx.msk $0xffff, v8  }
0x18c: {  	v62 =	vor.u32 v5, v9;
	v8 =	vld.idx.msk [tilespmem:v61+s17+$0x0], $0xffff  }
0x18d: {  	v63 =	vor.u32 s3, v6;
	_ =	sdelay $0x3  }
0x18e: {  	s1 =	sadd.s32 $0x10, s1;
	[tilespmem:v62+s19+$0x0] =	vst.idx.msk $0xffff, v8  }
0x18f: {  	v9 =	vor.u32 v7, v9;
	p0 =	sne.s32 s1, $0x20F;
	v8 =	vld.idx.msk [tilespmem:v63+s17+$0x0], $0xffff  }
.Ltmp0:
0x190: {  	_ = 	snop;
	(pc) =	sbr.rel @p0 .LBB2_2-.Ltmp0, $2  }
0x191: {  	_ =	sdelay $0x2  }
0x192: {  	s20 =	simm.s32 $0x2;
	s6 =	simm.s32 $0x3;
	s2 =	sadd.s32 $0x10, s2;
	[tilespmem:v9+s19+$0x0] =	vst.idx.msk $0xffff, v8  }
0x193: {  	s1 =	rddreg [dreg:$0x5]  }
0x194: {  	s2 =	simm.s32 $0x1000;
	s3 =	simm.s32 $0x20000;
	s29 =	simm.s32 $0xA  }
0x195: {  	[hbm4b:s1+s2] =	stream.strided.scatter [tilespmem:s19], [sflag:$0xA], $0x8000, s3, s2, $0x38;
	[tilespmem:$0x18200] =	vst v63  }
0x196: {  	_ =	swait.ge [sflag:s29], $0x8000  }
0x197: {  	s30 =	rddreg [dreg:$0x7]  }
0x198: {  	s31 =	rddreg [dreg:$0x6];
	s3 =	sadd.s32 $0x1, s30  }
0x199: {  	p0 =	sne.s32 s3, s31  }
.Ltmp1:
0x19a: {  	_ = 	snop;
	(pc) =	sbr.rel @p0 .LBB2_1-.Ltmp1, $3  }
0x19b: {  	_ =	sdelay $0x1  }
0x19c: {  	[sflag:s29] =	ssyncset.done $0x0  }
0x19d: {  	[sflag:s29] =	ssyncadd.s32 $0xFFFF8000  }
0x19e: {  	_ =	sfence.sel $0x180000  }
0x19f: {  	[bflag:$0x0] =	sbarrier.arrive $0xFFFF  }
0x1a0: {  	_ =	strace $0x90000047  }
0x1a1: {  	s0 =	stileid.u32;
	[bflag:$0x2] =	sbarrier.arrive $0xFFFF  }
0x1a2: {  	p0 =	sne.s32 s0, $0x0;
	s0 =	rddreg [dreg:$0x3]  }
0x1a3: {  	s0 =	sadd.s32 @!p0 $0x100000, s0  }
0x1a4: {  	[sflag:s0] =	ssyncadd.tile.s32 @!p0 $0x1;
	_ =	shalt  }
.Lfunc_end2:
_tile_overlayer_lowered:
.L_overlay_start_2:
0x1a5: {  	(tag) =	ssettag $0x2  }
0x1a6: {  	s0 =	rddreg [dreg:$0x0];
	s2 =	stileid.u32  }
0x1a7: {  	s1 =	rddreg [dreg:$0x1];
	p0 =	sne.s32 s2, $0x0  }
0x1a8: {  	s3 =	rddreg [dreg:$0x2];
	[bflag:$0x3] =	sbarrier.arrive $0xFFFF;
	s2 =	simm.s32 @!p0 $0x1C0A  }
0x1a9: {  	[timem:s3], [sflag:s2] =	dma.local @!p0 [hbm:s0], s1  }
0x1aa: {  	s0 =	simm.s32 @!p0 $0xA  }
0x1ab: {  	_ =	swait.ge @!p0 [sflag:s0], s1  }
0x1ac: {  	s1 =	ssub.s32 @!p0 $0x0, s1;
	[sflag:s0] =	ssyncset.done @!p0 $0x0  }
0x1ad: {  	[sflag:s0] =	ssyncadd.s32 @!p0 s1  }
0x1ae: {  	[bflag:$0x3] =	sbarrier.arrive $0xFFFF  }
0x1af: {  	_ =	shalt  }

</sc_bundles>
